<compile_context>
chip_gen: v7x
topology: tpu7x:2x2x1
jax: 0.10.2.dev20260603
libtpu: 0.0.44.dev20260713+nightly
codegen_flags: <defaults>
</compile_context>

<pallas_src>
import functools

import jax
import jax.numpy as jnp
from jax import lax
from jax.experimental import pallas as pl
from jax.experimental.pallas import tpu as pltpu
from jax.experimental.pallas import tpu_sc as plsc

_B, _S, _D, _V = 4, 8192, 1024, 8192
_NB = _B * _S
_NC, _NS = 2, 16
_NW = _NC * _NS
_BPW = _NB // _NW
_C = 16
_NCHUNK = _BPW // _C
_NSLOT = 4
_PREF = 3
_DRAIN = _NSLOT - _PREF

_mesh = plsc.VectorSubcoreMesh(core_axis_name="c", subcore_axis_name="s")


@functools.partial(
    pl.kernel,
    mesh=_mesh,
    out_type=jax.ShapeDtypeStruct((_NB, _D), jnp.float32),
    scratch_types=(
        [pltpu.VMEM((_BPW,), jnp.int32)]
        + [pltpu.VMEM((_C, _D), jnp.float32)] * _NSLOT
        + [pltpu.SemaphoreType.DMA] * (2 * _NSLOT)
    ),
)
def _gather(idx_hbm, table_hbm, out_hbm, idx_v, *bufs_and_sems):
    bufs = bufs_and_sems[:_NSLOT]
    gsem = bufs_and_sems[_NSLOT:2 * _NSLOT]
    ssem = bufs_and_sems[2 * _NSLOT:]

    wid = lax.axis_index("s") * _NC + lax.axis_index("c")
    base = wid * _BPW
    pltpu.sync_copy(
        idx_hbm.at[wid // (_S // _BPW), pl.ds((wid % (_S // _BPW)) * _BPW, _BPW)],
        idx_v)

    def gcp(ch, slot):
        return pltpu.make_async_copy(
            table_hbm.at[idx_v.at[pl.ds(ch * _C, _C)]], bufs[slot], gsem[slot])

    def scp(ch, slot):
        return pltpu.make_async_copy(
            bufs[slot], out_hbm.at[pl.ds(base + ch * _C, _C)], ssem[slot])

    def step(h, u):
        b2 = (u + _PREF) % _NSLOT
        if not isinstance(h, int) or h - _DRAIN >= 0:
            scp(h - _DRAIN, b2).wait()
        if not isinstance(h, int) or h + _PREF < _NCHUNK:
            gcp(h + _PREF, b2).start()
        gcp(h, u).wait()
        scp(h, u).start()

    for ch in range(_PREF):
        gcp(ch, ch).start()
    for h in range(_NSLOT):
        step(h, h % _NSLOT)

    def body(j, carry):
        h0 = j * _NSLOT
        for u in range(_NSLOT):
            step(h0 + u, u)
        return carry

    lax.fori_loop(1, _NCHUNK // _NSLOT - 1, body, 0)

    for h in range(_NCHUNK - _NSLOT, _NCHUNK):
        step(h, h % _NSLOT)
    for h in range(_NCHUNK - _DRAIN, _NCHUNK):
        scp(h, h % _NSLOT).wait()


def kernel(position_ids, pe):
    idx = position_ids.astype(jnp.int32)
    out = _gather(idx, pe)
    return out.reshape(_B, _S, _D)

# --- scband reference (transcript-rebuilt; emitter-appended) ---
"""Pipeline reference for scband-sinusoidal-position-encoding-36919538876939 (READ-ONLY COPY).

The authoritative reference and input builder live on the scoring server;
editing this copy changes nothing except your own understanding.
"""

import math
import jax, jax.numpy as jnp
import numpy as np

MAX_SEQ_LEN = 8192
D_MODEL = 1024

def _build_pe(max_seq_len, d_model):
    position = jnp.arange(0, max_seq_len, dtype=jnp.float32)[:, None]
    div_term = jnp.exp(jnp.arange(0, d_model, 2, dtype=jnp.float32) * -(math.log(10000.0) / d_model))
    pe = jnp.zeros((max_seq_len, d_model), dtype=jnp.float32)
    pe = pe.at[:, 0::2].set(jnp.sin(position * div_term))
    pe = pe.at[:, 1::2].set(jnp.cos(position * div_term))
    return pe

def setup_inputs(seed: int = 0) -> dict:
    key = jax.random.key(seed)
    k1, _ = jax.random.split(key)
    position_ids = jax.random.randint(k1, (4, 8192), 0, MAX_SEQ_LEN, dtype=jnp.int64 if jax.config.jax_enable_x64 else jnp.int32)
    pe = _build_pe(MAX_SEQ_LEN, D_MODEL)
    return {"position_ids": position_ids, "pe": pe}

def reference(position_ids, pe):
    # Faithful translation of SinusoidalPositionEncoding.forward: pe[position_ids]
    return jnp.take(pe, position_ids, axis=0)

if __name__ == "__main__":
    import jax
    _d = setup_inputs()
    print(jax.jit(kernel)(*tuple(_d.values())))

</pallas_src>

<mosaic_0001>
#map = affine_map<(d0, d1) -> (0, 0)>
module attributes {stable_mosaic.version = 14 : i64} {
  func.func @_gather(%arg0: i32, %arg1: i32, %arg2: memref<4x8192xi32, #tpu.memory_space<hbm>>, %arg3: memref<8192x1024xf32, #tpu.memory_space<hbm>>, %arg4: memref<32768x1024xf32, #tpu.memory_space<hbm>>, %arg5: memref<1024xi32, #tpu.memory_space<vmem>>, %arg6: memref<16x1024xf32, #tpu.memory_space<vmem>>, %arg7: memref<16x1024xf32, #tpu.memory_space<vmem>>, %arg8: memref<16x1024xf32, #tpu.memory_space<vmem>>, %arg9: memref<16x1024xf32, #tpu.memory_space<vmem>>, %arg10: memref<!tpu.dma_semaphore, #tpu.memory_space<semaphore_mem>>, %arg11: memref<!tpu.dma_semaphore, #tpu.memory_space<semaphore_mem>>, %arg12: memref<!tpu.dma_semaphore, #tpu.memory_space<semaphore_mem>>, %arg13: memref<!tpu.dma_semaphore, #tpu.memory_space<semaphore_mem>>, %arg14: memref<!tpu.dma_semaphore, #tpu.memory_space<semaphore_mem>>, %arg15: memref<!tpu.dma_semaphore, #tpu.memory_space<semaphore_mem>>, %arg16: memref<!tpu.dma_semaphore, #tpu.memory_space<semaphore_mem>>, %arg17: memref<!tpu.dma_semaphore, #tpu.memory_space<semaphore_mem>>) attributes {dimension_semantics = [#tpu.dimension_semantics<core_parallel>, #tpu.dimension_semantics<subcore_parallel>], iteration_bounds = array<i64: 2, 16>, scalar_prefetch = 0 : i64, scratch_operands = 13 : i64, tpu.core_type = #tpu.core_type<sc_vector_subcore>, window_params = [{transform_indices = #map}, {transform_indices = #map}, {transform_indices = #map}]} {
    %mul3A = arith.constant 2 : i32
    %mul3A_0 = arith.muli %arg1, %mul3A : i32
    %add3A = arith.addi %mul3A_0, %arg0 : i32
    %mul3A_1 = arith.constant 1024 : i32
    %mul3A_2 = arith.muli %add3A, %mul3A_1 : i32
    %jit3A = arith.constant 8 : i32
    %div3A = arith.divsi %add3A, %jit3A : i32
    %sign3A = arith.constant 0 : i32
    %sign3A_3 = arith.cmpi sgt, %add3A, %sign3A : i32
    %sign3A_4 = arith.extui %sign3A_3 : i1 to i32
    %sign3A_5 = arith.constant 0 : i32
    %sign3A_6 = arith.cmpi slt, %add3A, %sign3A_5 : i32
    %sign3A_7 = arith.extui %sign3A_6 : i1 to i32
    %sign3A_8 = arith.subi %sign3A_4, %sign3A_7 : i32
    %sign3A_9 = arith.constant 0 : i32
    %sign3A_10 = arith.cmpi sgt, %jit3A, %sign3A_9 : i32
    %sign3A_11 = arith.extui %sign3A_10 : i1 to i32
    %sign3A_12 = arith.constant 0 : i32
    %sign3A_13 = arith.cmpi slt, %jit3A, %sign3A_12 : i32
    %sign3A_14 = arith.extui %sign3A_13 : i1 to i32
    %sign3A_15 = arith.subi %sign3A_11, %sign3A_14 : i32
    %ne3A = arith.cmpi ne, %sign3A_8, %sign3A_15 : i32
    %rem3A = arith.remsi %add3A, %jit3A : i32
    %ne3A_16 = arith.constant 0 : i32
    %ne3A_17 = arith.cmpi ne, %rem3A, %ne3A_16 : i32
    %and3A = arith.andi %ne3A, %ne3A_17 : i1
    %sub3A = arith.constant 1 : i32
    %sub3A_18 = arith.subi %div3A, %sub3A : i32
    %select_n3A = arith.select %and3A, %sub3A_18, %div3A : i32
    %jit3A_19 = arith.constant 8 : i32
    %eq3A = arith.constant 0 : i32
    %eq3A_20 = arith.cmpi eq, %jit3A_19, %eq3A : i32
    %jit3A_21 = arith.constant 1 : i32
    %select_n3A_22 = arith.select %eq3A_20, %jit3A_21, %jit3A_19 : i32
    %rem3A_23 = arith.remsi %add3A, %select_n3A_22 : i32
    %ne3A_24 = arith.constant 0 : i32
    %ne3A_25 = arith.cmpi ne, %rem3A_23, %ne3A_24 : i32
    %lt3A = arith.constant 0 : i32
    %lt3A_26 = arith.cmpi slt, %rem3A_23, %lt3A : i32
    %lt3A_27 = arith.constant 0 : i32
    %lt3A_28 = arith.cmpi slt, %select_n3A_22, %lt3A_27 : i32
    %ne3A_29 = arith.xori %lt3A_26, %lt3A_28 : i1
    %and3A_30 = arith.andi %ne3A_29, %ne3A_25 : i1
    %add3A_31 = arith.addi %rem3A_23, %select_n3A_22 : i32
    %select_n3A_32 = arith.select %and3A_30, %add3A_31, %rem3A_23 : i32
    %mul3A_33 = arith.constant 1024 : i32
    %mul3A_34 = arith.muli %select_n3A_32, %mul3A_33 : i32
    "tpu.region"() ({
      %run_scoped3A = tpu.sem_alloc : memref<!tpu.dma_semaphore, #tpu.memory_space<semaphore_mem>>
      %dma_start3A_214 = tpu.memref_slice %arg2[%select_n3A, %mul3A_34] : memref<4x8192xi32, #tpu.memory_space<hbm>> -> memref<1x1024xi32, #tpu.memory_space<hbm>>
      %dma_start3A_215 = tpu.memref_squeeze %dma_start3A_214 : memref<1x1024xi32, #tpu.memory_space<hbm>> -> memref<1024xi32, #tpu.memory_space<hbm>>
      %dma_start3A_216 = tpu.memref_slice %arg2[%select_n3A, %mul3A_34] : memref<4x8192xi32, #tpu.memory_space<hbm>> -> memref<1x1024xi32, #tpu.memory_space<hbm>>
      %dma_start3A_217 = tpu.memref_squeeze %dma_start3A_216 : memref<1x1024xi32, #tpu.memory_space<hbm>> -> memref<1024xi32, #tpu.memory_space<hbm>>
      tpu.enqueue_dma source(%dma_start3A_217 : memref<1024xi32, #tpu.memory_space<hbm>>) target(%arg5 : memref<1024xi32, #tpu.memory_space<vmem>>) target_semaphore(%run_scoped3A : memref<!tpu.dma_semaphore, #tpu.memory_space<semaphore_mem>>)
      %dma_wait3A_218 = tpu.memref_slice %arg2[%select_n3A, %mul3A_34] : memref<4x8192xi32, #tpu.memory_space<hbm>> -> memref<1x1024xi32, #tpu.memory_space<hbm>>
      %dma_wait3A_219 = tpu.memref_squeeze %dma_wait3A_218 : memref<1x1024xi32, #tpu.memory_space<hbm>> -> memref<1024xi32, #tpu.memory_space<hbm>>
      %dma_wait3A_220 = tpu.memref_slice %arg2[%select_n3A, %mul3A_34] : memref<4x8192xi32, #tpu.memory_space<hbm>> -> memref<1x1024xi32, #tpu.memory_space<hbm>>
      %dma_wait3A_221 = tpu.memref_squeeze %dma_wait3A_220 : memref<1x1024xi32, #tpu.memory_space<hbm>> -> memref<1024xi32, #tpu.memory_space<hbm>>
      tpu.wait_dma2 semaphore(%run_scoped3A : memref<!tpu.dma_semaphore, #tpu.memory_space<semaphore_mem>>) src(%dma_wait3A_221 : memref<1024xi32, #tpu.memory_space<hbm>>) dst(%arg5 : memref<1024xi32, #tpu.memory_space<vmem>>)
      tpu.yield
    }) : () -> ()
    %dma_start3A = arith.constant 0 : i32
    %dma_start3A_35 = tpu.memref_slice %arg5[%dma_start3A] : memref<1024xi32, #tpu.memory_space<vmem>> -> memref<16xi32, #tpu.memory_space<vmem>>
    %dma_start3A_36 = arith.constant 0 : i32
    %dma_start3A_37 = arith.constant 0 : i32
    %dma_start3A_38 = tpu.memref_slice %arg3[%dma_start3A_36, %dma_start3A_37] : memref<8192x1024xf32, #tpu.memory_space<hbm>> -> memref<8192x1024xf32, #tpu.memory_space<hbm>>
    tpu.enqueue_indirect_dma source(%dma_start3A_38 : memref<8192x1024xf32, #tpu.memory_space<hbm>>) target(%arg6 : memref<16x1024xf32, #tpu.memory_space<vmem>>) offsets(%dma_start3A_35 : memref<16xi32, #tpu.memory_space<vmem>>) semaphore(%arg10 : memref<!tpu.dma_semaphore, #tpu.memory_space<semaphore_mem>>)
    %dma_start3A_39 = arith.constant 16 : i32
    %dma_start3A_40 = tpu.memref_slice %arg5[%dma_start3A_39] : memref<1024xi32, #tpu.memory_space<vmem>> -> memref<16xi32, #tpu.memory_space<vmem>>
    %dma_start3A_41 = arith.constant 0 : i32
    %dma_start3A_42 = arith.constant 0 : i32
    %dma_start3A_43 = tpu.memref_slice %arg3[%dma_start3A_41, %dma_start3A_42] : memref<8192x1024xf32, #tpu.memory_space<hbm>> -> memref<8192x1024xf32, #tpu.memory_space<hbm>>
    tpu.enqueue_indirect_dma source(%dma_start3A_43 : memref<8192x1024xf32, #tpu.memory_space<hbm>>) target(%arg7 : memref<16x1024xf32, #tpu.memory_space<vmem>>) offsets(%dma_start3A_40 : memref<16xi32, #tpu.memory_space<vmem>>) semaphore(%arg11 : memref<!tpu.dma_semaphore, #tpu.memory_space<semaphore_mem>>)
    %dma_start3A_44 = arith.constant 32 : i32
    %dma_start3A_45 = tpu.memref_slice %arg5[%dma_start3A_44] : memref<1024xi32, #tpu.memory_space<vmem>> -> memref<16xi32, #tpu.memory_space<vmem>>
    %dma_start3A_46 = arith.constant 0 : i32
    %dma_start3A_47 = arith.constant 0 : i32
    %dma_start3A_48 = tpu.memref_slice %arg3[%dma_start3A_46, %dma_start3A_47] : memref<8192x1024xf32, #tpu.memory_space<hbm>> -> memref<8192x1024xf32, #tpu.memory_space<hbm>>
    tpu.enqueue_indirect_dma source(%dma_start3A_48 : memref<8192x1024xf32, #tpu.memory_space<hbm>>) target(%arg8 : memref<16x1024xf32, #tpu.memory_space<vmem>>) offsets(%dma_start3A_45 : memref<16xi32, #tpu.memory_space<vmem>>) semaphore(%arg12 : memref<!tpu.dma_semaphore, #tpu.memory_space<semaphore_mem>>)
    %dma_start3A_49 = arith.constant 48 : i32
    %dma_start3A_50 = tpu.memref_slice %arg5[%dma_start3A_49] : memref<1024xi32, #tpu.memory_space<vmem>> -> memref<16xi32, #tpu.memory_space<vmem>>
    %dma_start3A_51 = arith.constant 0 : i32
    %dma_start3A_52 = arith.constant 0 : i32
    %dma_start3A_53 = tpu.memref_slice %arg3[%dma_start3A_51, %dma_start3A_52] : memref<8192x1024xf32, #tpu.memory_space<hbm>> -> memref<8192x1024xf32, #tpu.memory_space<hbm>>
    tpu.enqueue_indirect_dma source(%dma_start3A_53 : memref<8192x1024xf32, #tpu.memory_space<hbm>>) target(%arg9 : memref<16x1024xf32, #tpu.memory_space<vmem>>) offsets(%dma_start3A_50 : memref<16xi32, #tpu.memory_space<vmem>>) semaphore(%arg13 : memref<!tpu.dma_semaphore, #tpu.memory_space<semaphore_mem>>)
    %dma_wait3A = arith.constant 0 : i32
    %dma_wait3A_54 = tpu.memref_slice %arg5[%dma_wait3A] : memref<1024xi32, #tpu.memory_space<vmem>> -> memref<16xi32, #tpu.memory_space<vmem>>
    %dma_wait3A_55 = arith.constant 0 : i32
    %dma_wait3A_56 = arith.constant 0 : i32
    %dma_wait3A_57 = tpu.memref_slice %arg3[%dma_wait3A_55, %dma_wait3A_56] : memref<8192x1024xf32, #tpu.memory_space<hbm>> -> memref<8192x1024xf32, #tpu.memory_space<hbm>>
    tpu.wait_indirect_dma semaphore(%arg10 : memref<!tpu.dma_semaphore, #tpu.memory_space<semaphore_mem>>) src(%dma_wait3A_57 : memref<8192x1024xf32, #tpu.memory_space<hbm>>) dst(%arg6 : memref<16x1024xf32, #tpu.memory_space<vmem>>)
    %add3A_58 = arith.constant 0 : i32
    %add3A_59 = arith.addi %mul3A_2, %add3A_58 : i32
    %dma_start3A_60 = arith.constant 0 : i32
    %dma_start3A_61 = tpu.memref_slice %arg4[%add3A_59, %dma_start3A_60] : memref<32768x1024xf32, #tpu.memory_space<hbm>> -> memref<16x1024xf32, #tpu.memory_space<hbm>>
    %dma_start3A_62 = arith.constant 0 : i32
    %dma_start3A_63 = tpu.memref_slice %arg4[%add3A_59, %dma_start3A_62] : memref<32768x1024xf32, #tpu.memory_space<hbm>> -> memref<16x1024xf32, #tpu.memory_space<hbm>>
    tpu.enqueue_dma source(%arg6 : memref<16x1024xf32, #tpu.memory_space<vmem>>) target(%dma_start3A_63 : memref<16x1024xf32, #tpu.memory_space<hbm>>) target_semaphore(%arg14 : memref<!tpu.dma_semaphore, #tpu.memory_space<semaphore_mem>>)
    %add3A_64 = arith.constant 0 : i32
    %add3A_65 = arith.addi %mul3A_2, %add3A_64 : i32
    %dma_wait3A_66 = arith.constant 0 : i32
    %dma_wait3A_67 = tpu.memref_slice %arg4[%add3A_65, %dma_wait3A_66] : memref<32768x1024xf32, #tpu.memory_space<hbm>> -> memref<16x1024xf32, #tpu.memory_space<hbm>>
    %dma_wait3A_68 = arith.constant 0 : i32
    %dma_wait3A_69 = tpu.memref_slice %arg4[%add3A_65, %dma_wait3A_68] : memref<32768x1024xf32, #tpu.memory_space<hbm>> -> memref<16x1024xf32, #tpu.memory_space<hbm>>
    tpu.wait_dma2 semaphore(%arg14 : memref<!tpu.dma_semaphore, #tpu.memory_space<semaphore_mem>>) src(%arg6 : memref<16x1024xf32, #tpu.memory_space<vmem>>) dst(%dma_wait3A_69 : memref<16x1024xf32, #tpu.memory_space<hbm>>)
    %dma_start3A_70 = arith.constant 64 : i32
    %dma_start3A_71 = tpu.memref_slice %arg5[%dma_start3A_70] : memref<1024xi32, #tpu.memory_space<vmem>> -> memref<16xi32, #tpu.memory_space<vmem>>
    %dma_start3A_72 = arith.constant 0 : i32
    %dma_start3A_73 = arith.constant 0 : i32
    %dma_start3A_74 = tpu.memref_slice %arg3[%dma_start3A_72, %dma_start3A_73] : memref<8192x1024xf32, #tpu.memory_space<hbm>> -> memref<8192x1024xf32, #tpu.memory_space<hbm>>
    tpu.enqueue_indirect_dma source(%dma_start3A_74 : memref<8192x1024xf32, #tpu.memory_space<hbm>>) target(%arg6 : memref<16x1024xf32, #tpu.memory_space<vmem>>) offsets(%dma_start3A_71 : memref<16xi32, #tpu.memory_space<vmem>>) semaphore(%arg10 : memref<!tpu.dma_semaphore, #tpu.memory_space<semaphore_mem>>)
    %dma_wait3A_75 = arith.constant 16 : i32
    %dma_wait3A_76 = tpu.memref_slice %arg5[%dma_wait3A_75] : memref<1024xi32, #tpu.memory_space<vmem>> -> memref<16xi32, #tpu.memory_space<vmem>>
    %dma_wait3A_77 = arith.constant 0 : i32
    %dma_wait3A_78 = arith.constant 0 : i32
    %dma_wait3A_79 = tpu.memref_slice %arg3[%dma_wait3A_77, %dma_wait3A_78] : memref<8192x1024xf32, #tpu.memory_space<hbm>> -> memref<8192x1024xf32, #tpu.memory_space<hbm>>
    tpu.wait_indirect_dma semaphore(%arg11 : memref<!tpu.dma_semaphore, #tpu.memory_space<semaphore_mem>>) src(%dma_wait3A_79 : memref<8192x1024xf32, #tpu.memory_space<hbm>>) dst(%arg7 : memref<16x1024xf32, #tpu.memory_space<vmem>>)
    %add3A_80 = arith.constant 16 : i32
    %add3A_81 = arith.addi %mul3A_2, %add3A_80 : i32
    %dma_start3A_82 = arith.constant 0 : i32
    %dma_start3A_83 = tpu.memref_slice %arg4[%add3A_81, %dma_start3A_82] : memref<32768x1024xf32, #tpu.memory_space<hbm>> -> memref<16x1024xf32, #tpu.memory_space<hbm>>
    %dma_start3A_84 = arith.constant 0 : i32
    %dma_start3A_85 = tpu.memref_slice %arg4[%add3A_81, %dma_start3A_84] : memref<32768x1024xf32, #tpu.memory_space<hbm>> -> memref<16x1024xf32, #tpu.memory_space<hbm>>
    tpu.enqueue_dma source(%arg7 : memref<16x1024xf32, #tpu.memory_space<vmem>>) target(%dma_start3A_85 : memref<16x1024xf32, #tpu.memory_space<hbm>>) target_semaphore(%arg15 : memref<!tpu.dma_semaphore, #tpu.memory_space<semaphore_mem>>)
    %add3A_86 = arith.constant 16 : i32
    %add3A_87 = arith.addi %mul3A_2, %add3A_86 : i32
    %dma_wait3A_88 = arith.constant 0 : i32
    %dma_wait3A_89 = tpu.memref_slice %arg4[%add3A_87, %dma_wait3A_88] : memref<32768x1024xf32, #tpu.memory_space<hbm>> -> memref<16x1024xf32, #tpu.memory_space<hbm>>
    %dma_wait3A_90 = arith.constant 0 : i32
    %dma_wait3A_91 = tpu.memref_slice %arg4[%add3A_87, %dma_wait3A_90] : memref<32768x1024xf32, #tpu.memory_space<hbm>> -> memref<16x1024xf32, #tpu.memory_space<hbm>>
    tpu.wait_dma2 semaphore(%arg15 : memref<!tpu.dma_semaphore, #tpu.memory_space<semaphore_mem>>) src(%arg7 : memref<16x1024xf32, #tpu.memory_space<vmem>>) dst(%dma_wait3A_91 : memref<16x1024xf32, #tpu.memory_space<hbm>>)
    %dma_start3A_92 = arith.constant 80 : i32
    %dma_start3A_93 = tpu.memref_slice %arg5[%dma_start3A_92] : memref<1024xi32, #tpu.memory_space<vmem>> -> memref<16xi32, #tpu.memory_space<vmem>>
    %dma_start3A_94 = arith.constant 0 : i32
    %dma_start3A_95 = arith.constant 0 : i32
    %dma_start3A_96 = tpu.memref_slice %arg3[%dma_start3A_94, %dma_start3A_95] : memref<8192x1024xf32, #tpu.memory_space<hbm>> -> memref<8192x1024xf32, #tpu.memory_space<hbm>>
    tpu.enqueue_indirect_dma source(%dma_start3A_96 : memref<8192x1024xf32, #tpu.memory_space<hbm>>) target(%arg7 : memref<16x1024xf32, #tpu.memory_space<vmem>>) offsets(%dma_start3A_93 : memref<16xi32, #tpu.memory_space<vmem>>) semaphore(%arg11 : memref<!tpu.dma_semaphore, #tpu.memory_space<semaphore_mem>>)
    %dma_wait3A_97 = arith.constant 32 : i32
    %dma_wait3A_98 = tpu.memref_slice %arg5[%dma_wait3A_97] : memref<1024xi32, #tpu.memory_space<vmem>> -> memref<16xi32, #tpu.memory_space<vmem>>
    %dma_wait3A_99 = arith.constant 0 : i32
    %dma_wait3A_100 = arith.constant 0 : i32
    %dma_wait3A_101 = tpu.memref_slice %arg3[%dma_wait3A_99, %dma_wait3A_100] : memref<8192x1024xf32, #tpu.memory_space<hbm>> -> memref<8192x1024xf32, #tpu.memory_space<hbm>>
    tpu.wait_indirect_dma semaphore(%arg12 : memref<!tpu.dma_semaphore, #tpu.memory_space<semaphore_mem>>) src(%dma_wait3A_101 : memref<8192x1024xf32, #tpu.memory_space<hbm>>) dst(%arg8 : memref<16x1024xf32, #tpu.memory_space<vmem>>)
    %add3A_102 = arith.constant 32 : i32
    %add3A_103 = arith.addi %mul3A_2, %add3A_102 : i32
    %dma_start3A_104 = arith.constant 0 : i32
    %dma_start3A_105 = tpu.memref_slice %arg4[%add3A_103, %dma_start3A_104] : memref<32768x1024xf32, #tpu.memory_space<hbm>> -> memref<16x1024xf32, #tpu.memory_space<hbm>>
    %dma_start3A_106 = arith.constant 0 : i32
    %dma_start3A_107 = tpu.memref_slice %arg4[%add3A_103, %dma_start3A_106] : memref<32768x1024xf32, #tpu.memory_space<hbm>> -> memref<16x1024xf32, #tpu.memory_space<hbm>>
    tpu.enqueue_dma source(%arg8 : memref<16x1024xf32, #tpu.memory_space<vmem>>) target(%dma_start3A_107 : memref<16x1024xf32, #tpu.memory_space<hbm>>) target_semaphore(%arg16 : memref<!tpu.dma_semaphore, #tpu.memory_space<semaphore_mem>>)
    %add3A_108 = arith.constant 32 : i32
    %add3A_109 = arith.addi %mul3A_2, %add3A_108 : i32
    %dma_wait3A_110 = arith.constant 0 : i32
    %dma_wait3A_111 = tpu.memref_slice %arg4[%add3A_109, %dma_wait3A_110] : memref<32768x1024xf32, #tpu.memory_space<hbm>> -> memref<16x1024xf32, #tpu.memory_space<hbm>>
    %dma_wait3A_112 = arith.constant 0 : i32
    %dma_wait3A_113 = tpu.memref_slice %arg4[%add3A_109, %dma_wait3A_112] : memref<32768x1024xf32, #tpu.memory_space<hbm>> -> memref<16x1024xf32, #tpu.memory_space<hbm>>
    tpu.wait_dma2 semaphore(%arg16 : memref<!tpu.dma_semaphore, #tpu.memory_space<semaphore_mem>>) src(%arg8 : memref<16x1024xf32, #tpu.memory_space<vmem>>) dst(%dma_wait3A_113 : memref<16x1024xf32, #tpu.memory_space<hbm>>)
    %dma_start3A_114 = arith.constant 96 : i32
    %dma_start3A_115 = tpu.memref_slice %arg5[%dma_start3A_114] : memref<1024xi32, #tpu.memory_space<vmem>> -> memref<16xi32, #tpu.memory_space<vmem>>
    %dma_start3A_116 = arith.constant 0 : i32
    %dma_start3A_117 = arith.constant 0 : i32
    %dma_start3A_118 = tpu.memref_slice %arg3[%dma_start3A_116, %dma_start3A_117] : memref<8192x1024xf32, #tpu.memory_space<hbm>> -> memref<8192x1024xf32, #tpu.memory_space<hbm>>
    tpu.enqueue_indirect_dma source(%dma_start3A_118 : memref<8192x1024xf32, #tpu.memory_space<hbm>>) target(%arg8 : memref<16x1024xf32, #tpu.memory_space<vmem>>) offsets(%dma_start3A_115 : memref<16xi32, #tpu.memory_space<vmem>>) semaphore(%arg12 : memref<!tpu.dma_semaphore, #tpu.memory_space<semaphore_mem>>)
    %dma_wait3A_119 = arith.constant 48 : i32
    %dma_wait3A_120 = tpu.memref_slice %arg5[%dma_wait3A_119] : memref<1024xi32, #tpu.memory_space<vmem>> -> memref<16xi32, #tpu.memory_space<vmem>>
    %dma_wait3A_121 = arith.constant 0 : i32
    %dma_wait3A_122 = arith.constant 0 : i32
    %dma_wait3A_123 = tpu.memref_slice %arg3[%dma_wait3A_121, %dma_wait3A_122] : memref<8192x1024xf32, #tpu.memory_space<hbm>> -> memref<8192x1024xf32, #tpu.memory_space<hbm>>
    tpu.wait_indirect_dma semaphore(%arg13 : memref<!tpu.dma_semaphore, #tpu.memory_space<semaphore_mem>>) src(%dma_wait3A_123 : memref<8192x1024xf32, #tpu.memory_space<hbm>>) dst(%arg9 : memref<16x1024xf32, #tpu.memory_space<vmem>>)
    %add3A_124 = arith.constant 48 : i32
    %add3A_125 = arith.addi %mul3A_2, %add3A_124 : i32
    %dma_start3A_126 = arith.constant 0 : i32
    %dma_start3A_127 = tpu.memref_slice %arg4[%add3A_125, %dma_start3A_126] : memref<32768x1024xf32, #tpu.memory_space<hbm>> -> memref<16x1024xf32, #tpu.memory_space<hbm>>
    %dma_start3A_128 = arith.constant 0 : i32
    %dma_start3A_129 = tpu.memref_slice %arg4[%add3A_125, %dma_start3A_128] : memref<32768x1024xf32, #tpu.memory_space<hbm>> -> memref<16x1024xf32, #tpu.memory_space<hbm>>
    tpu.enqueue_dma source(%arg9 : memref<16x1024xf32, #tpu.memory_space<vmem>>) target(%dma_start3A_129 : memref<16x1024xf32, #tpu.memory_space<hbm>>) target_semaphore(%arg17 : memref<!tpu.dma_semaphore, #tpu.memory_space<semaphore_mem>>)
    %scan3A = arith.constant 0 : i32
    %scan3A_130 = arith.constant 1 : i32
    %scan3A_131 = arith.constant 14 : i32
    %scan3A_132 = arith.addi %scan3A_130, %scan3A_131 : i32
    %scan3A_133 = arith.constant 1 : i32
    scf.for %scan3A_214 = %scan3A_130 to %scan3A_132 step %scan3A_133  : i32 {
      %mul3A_215 = arith.constant 4 : i32
      %mul3A_216 = arith.muli %scan3A_214, %mul3A_215 : i32
      %add3A_217 = arith.constant 0 : i32
      %add3A_218 = arith.addi %mul3A_216, %add3A_217 : i32
      %sub3A_219 = arith.constant 1 : i32
      %sub3A_220 = arith.subi %add3A_218, %sub3A_219 : i32
      %mul3A_221 = arith.constant 16 : i32
      %mul3A_222 = arith.muli %sub3A_220, %mul3A_221 : i32
      %add3A_223 = arith.addi %mul3A_2, %mul3A_222 : i32
      %dma_wait3A_224 = arith.constant 0 : i32
      %dma_wait3A_225 = tpu.memref_slice %arg4[%add3A_223, %dma_wait3A_224] : memref<32768x1024xf32, #tpu.memory_space<hbm>> -> memref<16x1024xf32, #tpu.memory_space<hbm>>
      %dma_wait3A_226 = arith.constant 0 : i32
      %dma_wait3A_227 = tpu.memref_slice %arg4[%add3A_223, %dma_wait3A_226] : memref<32768x1024xf32, #tpu.memory_space<hbm>> -> memref<16x1024xf32, #tpu.memory_space<hbm>>
      tpu.wait_dma2 semaphore(%arg17 : memref<!tpu.dma_semaphore, #tpu.memory_space<semaphore_mem>>) src(%arg9 : memref<16x1024xf32, #tpu.memory_space<vmem>>) dst(%dma_wait3A_227 : memref<16x1024xf32, #tpu.memory_space<hbm>>)
      %add3A_228 = arith.constant 3 : i32
      %add3A_229 = arith.addi %add3A_218, %add3A_228 : i32
      %mul3A_230 = arith.constant 16 : i32
      %mul3A_231 = arith.muli %add3A_229, %mul3A_230 : i32
      %dma_start3A_232 = tpu.memref_slice %arg5[%mul3A_231] : memref<1024xi32, #tpu.memory_space<vmem>> -> memref<16xi32, #tpu.memory_space<vmem>>
      %dma_start3A_233 = arith.constant 0 : i32
      %dma_start3A_234 = arith.constant 0 : i32
      %dma_start3A_235 = tpu.memref_slice %arg3[%dma_start3A_233, %dma_start3A_234] : memref<8192x1024xf32, #tpu.memory_space<hbm>> -> memref<8192x1024xf32, #tpu.memory_space<hbm>>
      tpu.enqueue_indirect_dma source(%dma_start3A_235 : memref<8192x1024xf32, #tpu.memory_space<hbm>>) target(%arg9 : memref<16x1024xf32, #tpu.memory_space<vmem>>) offsets(%dma_start3A_232 : memref<16xi32, #tpu.memory_space<vmem>>) semaphore(%arg13 : memref<!tpu.dma_semaphore, #tpu.memory_space<semaphore_mem>>)
      %mul3A_236 = arith.constant 16 : i32
      %mul3A_237 = arith.muli %add3A_218, %mul3A_236 : i32
      %dma_wait3A_238 = tpu.memref_slice %arg5[%mul3A_237] : memref<1024xi32, #tpu.memory_space<vmem>> -> memref<16xi32, #tpu.memory_space<vmem>>
      %dma_wait3A_239 = arith.constant 0 : i32
      %dma_wait3A_240 = arith.constant 0 : i32
      %dma_wait3A_241 = tpu.memref_slice %arg3[%dma_wait3A_239, %dma_wait3A_240] : memref<8192x1024xf32, #tpu.memory_space<hbm>> -> memref<8192x1024xf32, #tpu.memory_space<hbm>>
      tpu.wait_indirect_dma semaphore(%arg10 : memref<!tpu.dma_semaphore, #tpu.memory_space<semaphore_mem>>) src(%dma_wait3A_241 : memref<8192x1024xf32, #tpu.memory_space<hbm>>) dst(%arg6 : memref<16x1024xf32, #tpu.memory_space<vmem>>)
      %mul3A_242 = arith.constant 16 : i32
      %mul3A_243 = arith.muli %add3A_218, %mul3A_242 : i32
      %add3A_244 = arith.addi %mul3A_2, %mul3A_243 : i32
      %dma_start3A_245 = arith.constant 0 : i32
      %dma_start3A_246 = tpu.memref_slice %arg4[%add3A_244, %dma_start3A_245] : memref<32768x1024xf32, #tpu.memory_space<hbm>> -> memref<16x1024xf32, #tpu.memory_space<hbm>>
      %dma_start3A_247 = arith.constant 0 : i32
      %dma_start3A_248 = tpu.memref_slice %arg4[%add3A_244, %dma_start3A_247] : memref<32768x1024xf32, #tpu.memory_space<hbm>> -> memref<16x1024xf32, #tpu.memory_space<hbm>>
      tpu.enqueue_dma source(%arg6 : memref<16x1024xf32, #tpu.memory_space<vmem>>) target(%dma_start3A_248 : memref<16x1024xf32, #tpu.memory_space<hbm>>) target_semaphore(%arg14 : memref<!tpu.dma_semaphore, #tpu.memory_space<semaphore_mem>>)
      %add3A_249 = arith.constant 1 : i32
      %add3A_250 = arith.addi %mul3A_216, %add3A_249 : i32
      %sub3A_251 = arith.constant 1 : i32
      %sub3A_252 = arith.subi %add3A_250, %sub3A_251 : i32
      %mul3A_253 = arith.constant 16 : i32
      %mul3A_254 = arith.muli %sub3A_252, %mul3A_253 : i32
      %add3A_255 = arith.addi %mul3A_2, %mul3A_254 : i32
      %dma_wait3A_256 = arith.constant 0 : i32
      %dma_wait3A_257 = tpu.memref_slice %arg4[%add3A_255, %dma_wait3A_256] : memref<32768x1024xf32, #tpu.memory_space<hbm>> -> memref<16x1024xf32, #tpu.memory_space<hbm>>
      %dma_wait3A_258 = arith.constant 0 : i32
      %dma_wait3A_259 = tpu.memref_slice %arg4[%add3A_255, %dma_wait3A_258] : memref<32768x1024xf32, #tpu.memory_space<hbm>> -> memref<16x1024xf32, #tpu.memory_space<hbm>>
      tpu.wait_dma2 semaphore(%arg14 : memref<!tpu.dma_semaphore, #tpu.memory_space<semaphore_mem>>) src(%arg6 : memref<16x1024xf32, #tpu.memory_space<vmem>>) dst(%dma_wait3A_259 : memref<16x1024xf32, #tpu.memory_space<hbm>>)
      %add3A_260 = arith.constant 3 : i32
      %add3A_261 = arith.addi %add3A_250, %add3A_260 : i32
      %mul3A_262 = arith.constant 16 : i32
      %mul3A_263 = arith.muli %add3A_261, %mul3A_262 : i32
      %dma_start3A_264 = tpu.memref_slice %arg5[%mul3A_263] : memref<1024xi32, #tpu.memory_space<vmem>> -> memref<16xi32, #tpu.memory_space<vmem>>
      %dma_start3A_265 = arith.constant 0 : i32
      %dma_start3A_266 = arith.constant 0 : i32
      %dma_start3A_267 = tpu.memref_slice %arg3[%dma_start3A_265, %dma_start3A_266] : memref<8192x1024xf32, #tpu.memory_space<hbm>> -> memref<8192x1024xf32, #tpu.memory_space<hbm>>
      tpu.enqueue_indirect_dma source(%dma_start3A_267 : memref<8192x1024xf32, #tpu.memory_space<hbm>>) target(%arg6 : memref<16x1024xf32, #tpu.memory_space<vmem>>) offsets(%dma_start3A_264 : memref<16xi32, #tpu.memory_space<vmem>>) semaphore(%arg10 : memref<!tpu.dma_semaphore, #tpu.memory_space<semaphore_mem>>)
      %mul3A_268 = arith.constant 16 : i32
      %mul3A_269 = arith.muli %add3A_250, %mul3A_268 : i32
      %dma_wait3A_270 = tpu.memref_slice %arg5[%mul3A_269] : memref<1024xi32, #tpu.memory_space<vmem>> -> memref<16xi32, #tpu.memory_space<vmem>>
      %dma_wait3A_271 = arith.constant 0 : i32
      %dma_wait3A_272 = arith.constant 0 : i32
      %dma_wait3A_273 = tpu.memref_slice %arg3[%dma_wait3A_271, %dma_wait3A_272] : memref<8192x1024xf32, #tpu.memory_space<hbm>> -> memref<8192x1024xf32, #tpu.memory_space<hbm>>
      tpu.wait_indirect_dma semaphore(%arg11 : memref<!tpu.dma_semaphore, #tpu.memory_space<semaphore_mem>>) src(%dma_wait3A_273 : memref<8192x1024xf32, #tpu.memory_space<hbm>>) dst(%arg7 : memref<16x1024xf32, #tpu.memory_space<vmem>>)
      %mul3A_274 = arith.constant 16 : i32
      %mul3A_275 = arith.muli %add3A_250, %mul3A_274 : i32
      %add3A_276 = arith.addi %mul3A_2, %mul3A_275 : i32
      %dma_start3A_277 = arith.constant 0 : i32
      %dma_start3A_278 = tpu.memref_slice %arg4[%add3A_276, %dma_start3A_277] : memref<32768x1024xf32, #tpu.memory_space<hbm>> -> memref<16x1024xf32, #tpu.memory_space<hbm>>
      %dma_start3A_279 = arith.constant 0 : i32
      %dma_start3A_280 = tpu.memref_slice %arg4[%add3A_276, %dma_start3A_279] : memref<32768x1024xf32, #tpu.memory_space<hbm>> -> memref<16x1024xf32, #tpu.memory_space<hbm>>
      tpu.enqueue_dma source(%arg7 : memref<16x1024xf32, #tpu.memory_space<vmem>>) target(%dma_start3A_280 : memref<16x1024xf32, #tpu.memory_space<hbm>>) target_semaphore(%arg15 : memref<!tpu.dma_semaphore, #tpu.memory_space<semaphore_mem>>)
      %add3A_281 = arith.constant 2 : i32
      %add3A_282 = arith.addi %mul3A_216, %add3A_281 : i32
      %sub3A_283 = arith.constant 1 : i32
      %sub3A_284 = arith.subi %add3A_282, %sub3A_283 : i32
      %mul3A_285 = arith.constant 16 : i32
      %mul3A_286 = arith.muli %sub3A_284, %mul3A_285 : i32
      %add3A_287 = arith.addi %mul3A_2, %mul3A_286 : i32
      %dma_wait3A_288 = arith.constant 0 : i32
      %dma_wait3A_289 = tpu.memref_slice %arg4[%add3A_287, %dma_wait3A_288] : memref<32768x1024xf32, #tpu.memory_space<hbm>> -> memref<16x1024xf32, #tpu.memory_space<hbm>>
      %dma_wait3A_290 = arith.constant 0 : i32
      %dma_wait3A_291 = tpu.memref_slice %arg4[%add3A_287, %dma_wait3A_290] : memref<32768x1024xf32, #tpu.memory_space<hbm>> -> memref<16x1024xf32, #tpu.memory_space<hbm>>
      tpu.wait_dma2 semaphore(%arg15 : memref<!tpu.dma_semaphore, #tpu.memory_space<semaphore_mem>>) src(%arg7 : memref<16x1024xf32, #tpu.memory_space<vmem>>) dst(%dma_wait3A_291 : memref<16x1024xf32, #tpu.memory_space<hbm>>)
      %add3A_292 = arith.constant 3 : i32
      %add3A_293 = arith.addi %add3A_282, %add3A_292 : i32
      %mul3A_294 = arith.constant 16 : i32
      %mul3A_295 = arith.muli %add3A_293, %mul3A_294 : i32
      %dma_start3A_296 = tpu.memref_slice %arg5[%mul3A_295] : memref<1024xi32, #tpu.memory_space<vmem>> -> memref<16xi32, #tpu.memory_space<vmem>>
      %dma_start3A_297 = arith.constant 0 : i32
      %dma_start3A_298 = arith.constant 0 : i32
      %dma_start3A_299 = tpu.memref_slice %arg3[%dma_start3A_297, %dma_start3A_298] : memref<8192x1024xf32, #tpu.memory_space<hbm>> -> memref<8192x1024xf32, #tpu.memory_space<hbm>>
      tpu.enqueue_indirect_dma source(%dma_start3A_299 : memref<8192x1024xf32, #tpu.memory_space<hbm>>) target(%arg7 : memref<16x1024xf32, #tpu.memory_space<vmem>>) offsets(%dma_start3A_296 : memref<16xi32, #tpu.memory_space<vmem>>) semaphore(%arg11 : memref<!tpu.dma_semaphore, #tpu.memory_space<semaphore_mem>>)
      %mul3A_300 = arith.constant 16 : i32
      %mul3A_301 = arith.muli %add3A_282, %mul3A_300 : i32
      %dma_wait3A_302 = tpu.memref_slice %arg5[%mul3A_301] : memref<1024xi32, #tpu.memory_space<vmem>> -> memref<16xi32, #tpu.memory_space<vmem>>
      %dma_wait3A_303 = arith.constant 0 : i32
      %dma_wait3A_304 = arith.constant 0 : i32
      %dma_wait3A_305 = tpu.memref_slice %arg3[%dma_wait3A_303, %dma_wait3A_304] : memref<8192x1024xf32, #tpu.memory_space<hbm>> -> memref<8192x1024xf32, #tpu.memory_space<hbm>>
      tpu.wait_indirect_dma semaphore(%arg12 : memref<!tpu.dma_semaphore, #tpu.memory_space<semaphore_mem>>) src(%dma_wait3A_305 : memref<8192x1024xf32, #tpu.memory_space<hbm>>) dst(%arg8 : memref<16x1024xf32, #tpu.memory_space<vmem>>)
      %mul3A_306 = arith.constant 16 : i32
      %mul3A_307 = arith.muli %add3A_282, %mul3A_306 : i32
      %add3A_308 = arith.addi %mul3A_2, %mul3A_307 : i32
      %dma_start3A_309 = arith.constant 0 : i32
      %dma_start3A_310 = tpu.memref_slice %arg4[%add3A_308, %dma_start3A_309] : memref<32768x1024xf32, #tpu.memory_space<hbm>> -> memref<16x1024xf32, #tpu.memory_space<hbm>>
      %dma_start3A_311 = arith.constant 0 : i32
      %dma_start3A_312 = tpu.memref_slice %arg4[%add3A_308, %dma_start3A_311] : memref<32768x1024xf32, #tpu.memory_space<hbm>> -> memref<16x1024xf32, #tpu.memory_space<hbm>>
      tpu.enqueue_dma source(%arg8 : memref<16x1024xf32, #tpu.memory_space<vmem>>) target(%dma_start3A_312 : memref<16x1024xf32, #tpu.memory_space<hbm>>) target_semaphore(%arg16 : memref<!tpu.dma_semaphore, #tpu.memory_space<semaphore_mem>>)
      %add3A_313 = arith.constant 3 : i32
      %add3A_314 = arith.addi %mul3A_216, %add3A_313 : i32
      %sub3A_315 = arith.constant 1 : i32
      %sub3A_316 = arith.subi %add3A_314, %sub3A_315 : i32
      %mul3A_317 = arith.constant 16 : i32
      %mul3A_318 = arith.muli %sub3A_316, %mul3A_317 : i32
      %add3A_319 = arith.addi %mul3A_2, %mul3A_318 : i32
      %dma_wait3A_320 = arith.constant 0 : i32
      %dma_wait3A_321 = tpu.memref_slice %arg4[%add3A_319, %dma_wait3A_320] : memref<32768x1024xf32, #tpu.memory_space<hbm>> -> memref<16x1024xf32, #tpu.memory_space<hbm>>
      %dma_wait3A_322 = arith.constant 0 : i32
      %dma_wait3A_323 = tpu.memref_slice %arg4[%add3A_319, %dma_wait3A_322] : memref<32768x1024xf32, #tpu.memory_space<hbm>> -> memref<16x1024xf32, #tpu.memory_space<hbm>>
      tpu.wait_dma2 semaphore(%arg16 : memref<!tpu.dma_semaphore, #tpu.memory_space<semaphore_mem>>) src(%arg8 : memref<16x1024xf32, #tpu.memory_space<vmem>>) dst(%dma_wait3A_323 : memref<16x1024xf32, #tpu.memory_space<hbm>>)
      %add3A_324 = arith.constant 3 : i32
      %add3A_325 = arith.addi %add3A_314, %add3A_324 : i32
      %mul3A_326 = arith.constant 16 : i32
      %mul3A_327 = arith.muli %add3A_325, %mul3A_326 : i32
      %dma_start3A_328 = tpu.memref_slice %arg5[%mul3A_327] : memref<1024xi32, #tpu.memory_space<vmem>> -> memref<16xi32, #tpu.memory_space<vmem>>
      %dma_start3A_329 = arith.constant 0 : i32
      %dma_start3A_330 = arith.constant 0 : i32
      %dma_start3A_331 = tpu.memref_slice %arg3[%dma_start3A_329, %dma_start3A_330] : memref<8192x1024xf32, #tpu.memory_space<hbm>> -> memref<8192x1024xf32, #tpu.memory_space<hbm>>
      tpu.enqueue_indirect_dma source(%dma_start3A_331 : memref<8192x1024xf32, #tpu.memory_space<hbm>>) target(%arg8 : memref<16x1024xf32, #tpu.memory_space<vmem>>) offsets(%dma_start3A_328 : memref<16xi32, #tpu.memory_space<vmem>>) semaphore(%arg12 : memref<!tpu.dma_semaphore, #tpu.memory_space<semaphore_mem>>)
      %mul3A_332 = arith.constant 16 : i32
      %mul3A_333 = arith.muli %add3A_314, %mul3A_332 : i32
      %dma_wait3A_334 = tpu.memref_slice %arg5[%mul3A_333] : memref<1024xi32, #tpu.memory_space<vmem>> -> memref<16xi32, #tpu.memory_space<vmem>>
      %dma_wait3A_335 = arith.constant 0 : i32
      %dma_wait3A_336 = arith.constant 0 : i32
      %dma_wait3A_337 = tpu.memref_slice %arg3[%dma_wait3A_335, %dma_wait3A_336] : memref<8192x1024xf32, #tpu.memory_space<hbm>> -> memref<8192x1024xf32, #tpu.memory_space<hbm>>
      tpu.wait_indirect_dma semaphore(%arg13 : memref<!tpu.dma_semaphore, #tpu.memory_space<semaphore_mem>>) src(%dma_wait3A_337 : memref<8192x1024xf32, #tpu.memory_space<hbm>>) dst(%arg9 : memref<16x1024xf32, #tpu.memory_space<vmem>>)
      %mul3A_338 = arith.constant 16 : i32
      %mul3A_339 = arith.muli %add3A_314, %mul3A_338 : i32
      %add3A_340 = arith.addi %mul3A_2, %mul3A_339 : i32
      %dma_start3A_341 = arith.constant 0 : i32
      %dma_start3A_342 = tpu.memref_slice %arg4[%add3A_340, %dma_start3A_341] : memref<32768x1024xf32, #tpu.memory_space<hbm>> -> memref<16x1024xf32, #tpu.memory_space<hbm>>
      %dma_start3A_343 = arith.constant 0 : i32
      %dma_start3A_344 = tpu.memref_slice %arg4[%add3A_340, %dma_start3A_343] : memref<32768x1024xf32, #tpu.memory_space<hbm>> -> memref<16x1024xf32, #tpu.memory_space<hbm>>
      tpu.enqueue_dma source(%arg9 : memref<16x1024xf32, #tpu.memory_space<vmem>>) target(%dma_start3A_344 : memref<16x1024xf32, #tpu.memory_space<hbm>>) target_semaphore(%arg17 : memref<!tpu.dma_semaphore, #tpu.memory_space<semaphore_mem>>)
    }
    %scan3A_134 = arith.constant 14 : i32
    %add3A_135 = arith.constant 944 : i32
    %add3A_136 = arith.addi %mul3A_2, %add3A_135 : i32
    %dma_wait3A_137 = arith.constant 0 : i32
    %dma_wait3A_138 = tpu.memref_slice %arg4[%add3A_136, %dma_wait3A_137] : memref<32768x1024xf32, #tpu.memory_space<hbm>> -> memref<16x1024xf32, #tpu.memory_space<hbm>>
    %dma_wait3A_139 = arith.constant 0 : i32
    %dma_wait3A_140 = tpu.memref_slice %arg4[%add3A_136, %dma_wait3A_139] : memref<32768x1024xf32, #tpu.memory_space<hbm>> -> memref<16x1024xf32, #tpu.memory_space<hbm>>
    tpu.wait_dma2 semaphore(%arg17 : memref<!tpu.dma_semaphore, #tpu.memory_space<semaphore_mem>>) src(%arg9 : memref<16x1024xf32, #tpu.memory_space<vmem>>) dst(%dma_wait3A_140 : memref<16x1024xf32, #tpu.memory_space<hbm>>)
    %dma_start3A_141 = arith.constant 1008 : i32
    %dma_start3A_142 = tpu.memref_slice %arg5[%dma_start3A_141] : memref<1024xi32, #tpu.memory_space<vmem>> -> memref<16xi32, #tpu.memory_space<vmem>>
    %dma_start3A_143 = arith.constant 0 : i32
    %dma_start3A_144 = arith.constant 0 : i32
    %dma_start3A_145 = tpu.memref_slice %arg3[%dma_start3A_143, %dma_start3A_144] : memref<8192x1024xf32, #tpu.memory_space<hbm>> -> memref<8192x1024xf32, #tpu.memory_space<hbm>>
    tpu.enqueue_indirect_dma source(%dma_start3A_145 : memref<8192x1024xf32, #tpu.memory_space<hbm>>) target(%arg9 : memref<16x1024xf32, #tpu.memory_space<vmem>>) offsets(%dma_start3A_142 : memref<16xi32, #tpu.memory_space<vmem>>) semaphore(%arg13 : memref<!tpu.dma_semaphore, #tpu.memory_space<semaphore_mem>>)
    %dma_wait3A_146 = arith.constant 960 : i32
    %dma_wait3A_147 = tpu.memref_slice %arg5[%dma_wait3A_146] : memref<1024xi32, #tpu.memory_space<vmem>> -> memref<16xi32, #tpu.memory_space<vmem>>
    %dma_wait3A_148 = arith.constant 0 : i32
    %dma_wait3A_149 = arith.constant 0 : i32
    %dma_wait3A_150 = tpu.memref_slice %arg3[%dma_wait3A_148, %dma_wait3A_149] : memref<8192x1024xf32, #tpu.memory_space<hbm>> -> memref<8192x1024xf32, #tpu.memory_space<hbm>>
    tpu.wait_indirect_dma semaphore(%arg10 : memref<!tpu.dma_semaphore, #tpu.memory_space<semaphore_mem>>) src(%dma_wait3A_150 : memref<8192x1024xf32, #tpu.memory_space<hbm>>) dst(%arg6 : memref<16x1024xf32, #tpu.memory_space<vmem>>)
    %add3A_151 = arith.constant 960 : i32
    %add3A_152 = arith.addi %mul3A_2, %add3A_151 : i32
    %dma_start3A_153 = arith.constant 0 : i32
    %dma_start3A_154 = tpu.memref_slice %arg4[%add3A_152, %dma_start3A_153] : memref<32768x1024xf32, #tpu.memory_space<hbm>> -> memref<16x1024xf32, #tpu.memory_space<hbm>>
    %dma_start3A_155 = arith.constant 0 : i32
    %dma_start3A_156 = tpu.memref_slice %arg4[%add3A_152, %dma_start3A_155] : memref<32768x1024xf32, #tpu.memory_space<hbm>> -> memref<16x1024xf32, #tpu.memory_space<hbm>>
    tpu.enqueue_dma source(%arg6 : memref<16x1024xf32, #tpu.memory_space<vmem>>) target(%dma_start3A_156 : memref<16x1024xf32, #tpu.memory_space<hbm>>) target_semaphore(%arg14 : memref<!tpu.dma_semaphore, #tpu.memory_space<semaphore_mem>>)
    %add3A_157 = arith.constant 960 : i32
    %add3A_158 = arith.addi %mul3A_2, %add3A_157 : i32
    %dma_wait3A_159 = arith.constant 0 : i32
    %dma_wait3A_160 = tpu.memref_slice %arg4[%add3A_158, %dma_wait3A_159] : memref<32768x1024xf32, #tpu.memory_space<hbm>> -> memref<16x1024xf32, #tpu.memory_space<hbm>>
    %dma_wait3A_161 = arith.constant 0 : i32
    %dma_wait3A_162 = tpu.memref_slice %arg4[%add3A_158, %dma_wait3A_161] : memref<32768x1024xf32, #tpu.memory_space<hbm>> -> memref<16x1024xf32, #tpu.memory_space<hbm>>
    tpu.wait_dma2 semaphore(%arg14 : memref<!tpu.dma_semaphore, #tpu.memory_space<semaphore_mem>>) src(%arg6 : memref<16x1024xf32, #tpu.memory_space<vmem>>) dst(%dma_wait3A_162 : memref<16x1024xf32, #tpu.memory_space<hbm>>)
    %dma_wait3A_163 = arith.constant 976 : i32
    %dma_wait3A_164 = tpu.memref_slice %arg5[%dma_wait3A_163] : memref<1024xi32, #tpu.memory_space<vmem>> -> memref<16xi32, #tpu.memory_space<vmem>>
    %dma_wait3A_165 = arith.constant 0 : i32
    %dma_wait3A_166 = arith.constant 0 : i32
    %dma_wait3A_167 = tpu.memref_slice %arg3[%dma_wait3A_165, %dma_wait3A_166] : memref<8192x1024xf32, #tpu.memory_space<hbm>> -> memref<8192x1024xf32, #tpu.memory_space<hbm>>
    tpu.wait_indirect_dma semaphore(%arg11 : memref<!tpu.dma_semaphore, #tpu.memory_space<semaphore_mem>>) src(%dma_wait3A_167 : memref<8192x1024xf32, #tpu.memory_space<hbm>>) dst(%arg7 : memref<16x1024xf32, #tpu.memory_space<vmem>>)
    %add3A_168 = arith.constant 976 : i32
    %add3A_169 = arith.addi %mul3A_2, %add3A_168 : i32
    %dma_start3A_170 = arith.constant 0 : i32
    %dma_start3A_171 = tpu.memref_slice %arg4[%add3A_169, %dma_start3A_170] : memref<32768x1024xf32, #tpu.memory_space<hbm>> -> memref<16x1024xf32, #tpu.memory_space<hbm>>
    %dma_start3A_172 = arith.constant 0 : i32
    %dma_start3A_173 = tpu.memref_slice %arg4[%add3A_169, %dma_start3A_172] : memref<32768x1024xf32, #tpu.memory_space<hbm>> -> memref<16x1024xf32, #tpu.memory_space<hbm>>
    tpu.enqueue_dma source(%arg7 : memref<16x1024xf32, #tpu.memory_space<vmem>>) target(%dma_start3A_173 : memref<16x1024xf32, #tpu.memory_space<hbm>>) target_semaphore(%arg15 : memref<!tpu.dma_semaphore, #tpu.memory_space<semaphore_mem>>)
    %add3A_174 = arith.constant 976 : i32
    %add3A_175 = arith.addi %mul3A_2, %add3A_174 : i32
    %dma_wait3A_176 = arith.constant 0 : i32
    %dma_wait3A_177 = tpu.memref_slice %arg4[%add3A_175, %dma_wait3A_176] : memref<32768x1024xf32, #tpu.memory_space<hbm>> -> memref<16x1024xf32, #tpu.memory_space<hbm>>
    %dma_wait3A_178 = arith.constant 0 : i32
    %dma_wait3A_179 = tpu.memref_slice %arg4[%add3A_175, %dma_wait3A_178] : memref<32768x1024xf32, #tpu.memory_space<hbm>> -> memref<16x1024xf32, #tpu.memory_space<hbm>>
    tpu.wait_dma2 semaphore(%arg15 : memref<!tpu.dma_semaphore, #tpu.memory_space<semaphore_mem>>) src(%arg7 : memref<16x1024xf32, #tpu.memory_space<vmem>>) dst(%dma_wait3A_179 : memref<16x1024xf32, #tpu.memory_space<hbm>>)
    %dma_wait3A_180 = arith.constant 992 : i32
    %dma_wait3A_181 = tpu.memref_slice %arg5[%dma_wait3A_180] : memref<1024xi32, #tpu.memory_space<vmem>> -> memref<16xi32, #tpu.memory_space<vmem>>
    %dma_wait3A_182 = arith.constant 0 : i32
    %dma_wait3A_183 = arith.constant 0 : i32
    %dma_wait3A_184 = tpu.memref_slice %arg3[%dma_wait3A_182, %dma_wait3A_183] : memref<8192x1024xf32, #tpu.memory_space<hbm>> -> memref<8192x1024xf32, #tpu.memory_space<hbm>>
    tpu.wait_indirect_dma semaphore(%arg12 : memref<!tpu.dma_semaphore, #tpu.memory_space<semaphore_mem>>) src(%dma_wait3A_184 : memref<8192x1024xf32, #tpu.memory_space<hbm>>) dst(%arg8 : memref<16x1024xf32, #tpu.memory_space<vmem>>)
    %add3A_185 = arith.constant 992 : i32
    %add3A_186 = arith.addi %mul3A_2, %add3A_185 : i32
    %dma_start3A_187 = arith.constant 0 : i32
    %dma_start3A_188 = tpu.memref_slice %arg4[%add3A_186, %dma_start3A_187] : memref<32768x1024xf32, #tpu.memory_space<hbm>> -> memref<16x1024xf32, #tpu.memory_space<hbm>>
    %dma_start3A_189 = arith.constant 0 : i32
    %dma_start3A_190 = tpu.memref_slice %arg4[%add3A_186, %dma_start3A_189] : memref<32768x1024xf32, #tpu.memory_space<hbm>> -> memref<16x1024xf32, #tpu.memory_space<hbm>>
    tpu.enqueue_dma source(%arg8 : memref<16x1024xf32, #tpu.memory_space<vmem>>) target(%dma_start3A_190 : memref<16x1024xf32, #tpu.memory_space<hbm>>) target_semaphore(%arg16 : memref<!tpu.dma_semaphore, #tpu.memory_space<semaphore_mem>>)
    %add3A_191 = arith.constant 992 : i32
    %add3A_192 = arith.addi %mul3A_2, %add3A_191 : i32
    %dma_wait3A_193 = arith.constant 0 : i32
    %dma_wait3A_194 = tpu.memref_slice %arg4[%add3A_192, %dma_wait3A_193] : memref<32768x1024xf32, #tpu.memory_space<hbm>> -> memref<16x1024xf32, #tpu.memory_space<hbm>>
    %dma_wait3A_195 = arith.constant 0 : i32
    %dma_wait3A_196 = tpu.memref_slice %arg4[%add3A_192, %dma_wait3A_195] : memref<32768x1024xf32, #tpu.memory_space<hbm>> -> memref<16x1024xf32, #tpu.memory_space<hbm>>
    tpu.wait_dma2 semaphore(%arg16 : memref<!tpu.dma_semaphore, #tpu.memory_space<semaphore_mem>>) src(%arg8 : memref<16x1024xf32, #tpu.memory_space<vmem>>) dst(%dma_wait3A_196 : memref<16x1024xf32, #tpu.memory_space<hbm>>)
    %dma_wait3A_197 = arith.constant 1008 : i32
    %dma_wait3A_198 = tpu.memref_slice %arg5[%dma_wait3A_197] : memref<1024xi32, #tpu.memory_space<vmem>> -> memref<16xi32, #tpu.memory_space<vmem>>
    %dma_wait3A_199 = arith.constant 0 : i32
    %dma_wait3A_200 = arith.constant 0 : i32
    %dma_wait3A_201 = tpu.memref_slice %arg3[%dma_wait3A_199, %dma_wait3A_200] : memref<8192x1024xf32, #tpu.memory_space<hbm>> -> memref<8192x1024xf32, #tpu.memory_space<hbm>>
    tpu.wait_indirect_dma semaphore(%arg13 : memref<!tpu.dma_semaphore, #tpu.memory_space<semaphore_mem>>) src(%dma_wait3A_201 : memref<8192x1024xf32, #tpu.memory_space<hbm>>) dst(%arg9 : memref<16x1024xf32, #tpu.memory_space<vmem>>)
    %add3A_202 = arith.constant 1008 : i32
    %add3A_203 = arith.addi %mul3A_2, %add3A_202 : i32
    %dma_start3A_204 = arith.constant 0 : i32
    %dma_start3A_205 = tpu.memref_slice %arg4[%add3A_203, %dma_start3A_204] : memref<32768x1024xf32, #tpu.memory_space<hbm>> -> memref<16x1024xf32, #tpu.memory_space<hbm>>
    %dma_start3A_206 = arith.constant 0 : i32
    %dma_start3A_207 = tpu.memref_slice %arg4[%add3A_203, %dma_start3A_206] : memref<32768x1024xf32, #tpu.memory_space<hbm>> -> memref<16x1024xf32, #tpu.memory_space<hbm>>
    tpu.enqueue_dma source(%arg9 : memref<16x1024xf32, #tpu.memory_space<vmem>>) target(%dma_start3A_207 : memref<16x1024xf32, #tpu.memory_space<hbm>>) target_semaphore(%arg17 : memref<!tpu.dma_semaphore, #tpu.memory_space<semaphore_mem>>)
    %add3A_208 = arith.constant 1008 : i32
    %add3A_209 = arith.addi %mul3A_2, %add3A_208 : i32
    %dma_wait3A_210 = arith.constant 0 : i32
    %dma_wait3A_211 = tpu.memref_slice %arg4[%add3A_209, %dma_wait3A_210] : memref<32768x1024xf32, #tpu.memory_space<hbm>> -> memref<16x1024xf32, #tpu.memory_space<hbm>>
    %dma_wait3A_212 = arith.constant 0 : i32
    %dma_wait3A_213 = tpu.memref_slice %arg4[%add3A_209, %dma_wait3A_212] : memref<32768x1024xf32, #tpu.memory_space<hbm>> -> memref<16x1024xf32, #tpu.memory_space<hbm>>
    tpu.wait_dma2 semaphore(%arg17 : memref<!tpu.dma_semaphore, #tpu.memory_space<semaphore_mem>>) src(%arg9 : memref<16x1024xf32, #tpu.memory_space<vmem>>) dst(%dma_wait3A_213 : memref<16x1024xf32, #tpu.memory_space<hbm>>)
    return
  }
}

</mosaic_0001>

<sc_bundles>
// kernel: kernel.3.cloned.1.call-start
scs
__scs_entry_jumppad:
0x0: {  	(pc) =	sbr.rel $0x88, $3  }
0x1: {  	(tag) =	ssettag $0x0;
	lr =	simm.s32 $0x1  }
0x2: {  	[smem:$0x3F9F] =	sst lr;
	_ =	strace $0xD0000000  }
0x3: {  	_ = 	snop  }
0x4: {  	_ = 	snop  }
0x5: {  	_ = 	snop  }
0x6: {  	_ = 	snop  }
0x7: {  	_ = 	snop  }
__scs_overlays_trampoline_lowered:
0x8: {  	[smem:$0x3FAE] =	sst s0  }
0x9: {  	[smem:$0x3FAF] =	sst s1  }
0xa: {  	[smem:$0x3FB0] =	sst s2  }
0xb: {  	[smem:$0x3FB1] =	sst s3  }
0xc: {  	[smem:$0x3FB2] =	sst s4  }
0xd: {  	[smem:$0x3FB3] =	sst s5  }
0xe: {  	[smem:$0x3FB4] =	sst s6  }
0xf: {  	[smem:$0x3FB5] =	sst s7  }
0x10: {  	[smem:$0x3FB6] =	sst s8  }
0x11: {  	[smem:$0x3FB7] =	sst s9;
	s0 =	simm.s32 @!p0 $0x0  }
0x12: {  	s1 =	sld [smem:$0x3F9D];
	s0 =	simm.s32 @p0 $0x1  }
0x13: {  	[smem:$0x3FB8] =	sst s0;
	s0 =	simm.s32 @!p1 $0x0  }
0x14: {  	s2 =	sld [smem:$0x3F9C];
	s0 =	simm.s32 @p1 $0x1  }
0x15: {  	[smem:$0x3FB9] =	sst s0;
	s0 =	simm.s32 @!p2 $0x0  }
0x16: {  	s3 =	sld [smem:$0x3FDB];
	s0 =	simm.s32 @p2 $0x1  }
0x17: {  	s4 =	simm.s32 $0x1BF5;
	[smem:$0x3FBB] =	sst s0  }
0x18: {  	s0 =	sld [smem:$0x3F9E];
	_ =	swait.ge [sflag:s4], $0x0  }
0x19: {  	s7 =	sld [smem:$0x3F9F]  }
0x1a: {  	s8 =	sadd.s32 $0xFFFFE003, lr  }
0x1b: {  	s9 =	sadd.s32 $0xFFFFFEF7, lr;
	s5 =	simm.s32 $0xFFFFFFFF;
	p2 =	slt.u32 s8, $0xFFFFF086  }
0x1c: {  	p1 =	slt.u32 s9, $0xF7A;
	s5 =	simm.s32 @!p2 $0x0  }
0x1d: {  	s5 =	simm.s32 @p1 $0x1;
	p0 =	seq.s32 s7, s2  }
0x1e: {  	s7 =	smul.u32 @!p0 $0xF7A, s2;
	p2 =	seq.s32 @!p0 s5, $0x0  }
0x1f: {  	s9 =	smul.u32 $0xF7A, s1;
	s8 =	simm.s32 @!p0 $0x1BF5;
	p2 =	por !p2, p0  }
0x20: {  	[sflag:s8] =	ssyncset.s32 @!p0 $0xFFFFF086;
	s6 =	sadd.s32 @!p0 s3, s7;
	s7 =	simm.s32 @!p0 $0x108  }
0x21: {  	s3 =	sadd.s32 s3, s9;
	s6 =	sadd.s32 @!p0 $0x88, s6;
	s7 =	simm.s32 @p2 $0x1082  }
0x22: {  	[simem:s7], [sflag:s8] =	dma.local @!p0 [hbm:s6], $0xF7A  }
0x23: {  	s9 =	sor.u32 $0xD0000000, s2;
	s6 =	simm.s32 $0x108;
	_ =	swait.ge @!p0 [sflag:s8], $0x0  }
0x24: {  	s3 =	sadd.s32 $0x88, s3;
	s6 =	simm.s32 @!p1 $0x1082;
	[sflag:s4] =	ssyncset.s32 $0xFFFFF086  }
0x25: {  	[simem:s6], [sflag:s4] =	dma.local [hbm:s3], $0xF7A  }
0x26: {  	[smem:$0x3F9F] =	sst s1;
	(tag) =	ssettag s2;
	_ =	strace s9  }
0x27: {  	s1 =	sld [smem:$0x3FAF]  }
0x28: {  	s2 =	sld [smem:$0x3FB0]  }
0x29: {  	s4 =	sld [smem:$0x3FB2]  }
0x2a: {  	p0 =	seq.s32 s5, $0x0;
	s5 =	sld [smem:$0x3FB3]  }
0x2b: {  	s6 =	sld [smem:$0x3FB4]  }
0x2c: {  	s7 =	sld [smem:$0x3FB5]  }
0x2d: {  	s3 =	simm.s32 $0x108;
	s8 =	sld [smem:$0x3FB6]  }
0x2e: {  	s3 =	simm.s32 @!p0 $0x1082;
	s9 =	sld [smem:$0x3FB7]  }
0x2f: {  	lr =	sadd.s32 s0, s3;
	s0 =	sld [smem:$0x3FAE]  }
0x30: {  	s3 =	sld [smem:$0x3FB1]  }
0x31: {  	[smem:$0x3FBA] =	sst s10  }
0x32: {  	s10 =	sld [smem:$0x3FB8];
	_ =	sdelay $0x3  }
0x33: {  	p0 =	seq.s32 s10, $0x1;
	s10 =	sld [smem:$0x3FBA];
	_ =	sdelay $0x3  }
0x34: {  	[smem:$0x3FBA] =	sst s10  }
0x35: {  	s10 =	sld [smem:$0x3FB9];
	_ =	sdelay $0x3  }
0x36: {  	p1 =	seq.s32 s10, $0x1;
	s10 =	sld [smem:$0x3FBA];
	_ =	sdelay $0x3  }
0x37: {  	[smem:$0x3FBA] =	sst s10  }
0x38: {  	s10 =	sld [smem:$0x3FBB]  }
0x39: {  	_ = 	snop;
	(pc) =	sbr.ind lr, $3  }
0x3a: {  	_ = 	snop  }
0x3b: {  	_ = 	snop  }
0x3c: {  	p2 =	seq.s32 s10, $0x1;
	s10 =	sld [smem:$0x3FBA]  }
0x3d: {  	_ =	shalt  }
0x3e: {  	_ =	shalt  }
0x3f: {  	_ =	shalt  }
0x40: {  	_ =	shalt  }
0x41: {  	_ =	shalt  }
0x42: {  	_ =	shalt  }
0x43: {  	_ =	shalt  }
0x44: {  	_ =	shalt  }
0x45: {  	_ =	shalt  }
0x46: {  	_ =	shalt  }
0x47: {  	_ =	shalt  }
0x48: {  	_ =	shalt  }
0x49: {  	_ =	shalt  }
0x4a: {  	_ =	shalt  }
0x4b: {  	_ =	shalt  }
0x4c: {  	_ =	shalt  }
0x4d: {  	_ =	shalt  }
0x4e: {  	_ =	shalt  }
0x4f: {  	_ =	shalt  }
0x50: {  	_ =	shalt  }
0x51: {  	_ =	shalt  }
0x52: {  	_ =	shalt  }
0x53: {  	_ =	shalt  }
0x54: {  	_ =	shalt  }
0x55: {  	_ =	shalt  }
0x56: {  	_ =	shalt  }
0x57: {  	_ =	shalt  }
0x58: {  	_ =	shalt  }
0x59: {  	_ =	shalt  }
0x5a: {  	_ =	shalt  }
0x5b: {  	_ =	shalt  }
0x5c: {  	_ =	shalt  }
0x5d: {  	_ =	shalt  }
0x5e: {  	_ =	shalt  }
0x5f: {  	_ =	shalt  }
0x60: {  	_ =	shalt  }
0x61: {  	_ =	shalt  }
0x62: {  	_ =	shalt  }
0x63: {  	_ =	shalt  }
0x64: {  	_ =	shalt  }
0x65: {  	_ =	shalt  }
0x66: {  	_ =	shalt  }
0x67: {  	_ =	shalt  }
0x68: {  	_ =	shalt  }
0x69: {  	_ =	shalt  }
0x6a: {  	_ =	shalt  }
0x6b: {  	_ =	shalt  }
0x6c: {  	_ =	shalt  }
0x6d: {  	_ =	shalt  }
0x6e: {  	_ =	shalt  }
0x6f: {  	_ =	shalt  }
0x70: {  	_ =	shalt  }
0x71: {  	_ =	shalt  }
0x72: {  	_ =	shalt  }
0x73: {  	_ =	shalt  }
0x74: {  	_ =	shalt  }
0x75: {  	_ =	shalt  }
0x76: {  	_ =	shalt  }
0x77: {  	_ =	shalt  }
0x78: {  	_ =	shalt  }
0x79: {  	_ =	shalt  }
0x7a: {  	_ =	shalt  }
0x7b: {  	_ =	shalt  }
0x7c: {  	_ =	shalt  }
0x7d: {  	_ =	shalt  }
0x7e: {  	_ =	shalt  }
0x7f: {  	_ =	shalt  }
0x80: {  	_ =	shalt  }
0x81: {  	_ =	shalt  }
0x82: {  	_ =	shalt  }
0x83: {  	_ =	shalt  }
0x84: {  	_ =	shalt  }
0x85: {  	_ =	shalt  }
0x86: {  	_ =	shalt  }
0x87: {  	_ =	shalt  }
.Lfunc_end0:
.L_simem_size_0:
called_computation_lowered:
.L_overlay_start_0:
0x88: {  	s2 =	sld [smem:$0x3FD9]  }
0x89: {  	s3 =	sld [smem:$0x3FFE];
	_ =	sdelay $0x1  }
0x8a: {  	s1 =	srdreg.scid  }
0x8b: {  	s0 =	sand.u32 $0x1, s1  }
0x8c: {  	s18 =	sshll.u32 s0, $0xA;
	s2 =	sadd.s32 s3, s2  }
0x8d: {  	s2 =	sadd.s32 s2, s18  }
0x8e: {  	[smem:$0x3FC6] =	sst s2  }
0x8f: {  	_ = 	snop  }
0x90: {  	s2 =	sld [smem:$0x3FC9]  }
0x91: {  	s19 =	sld [smem:$0x3FC8]  }
0x92: {  	s4 =	sld [smem:$0x3FD0];
	(tm) =	ssettm $0x1  }
0x93: {  	s5 =	sld [smem:$0x3FFB];
	_ =	sdelay $0x3  }
0x94: {  	_ =	strace s5  }
0x95: {  	s5 =	sld [smem:$0x3FFC];
	_ =	sdelay $0x3  }
0x96: {  	_ =	strace s5  }
0x97: {  	s5 =	sld [smem:$0x3FFD];
	_ =	sdelay $0x3  }
0x98: {  	_ =	strace s5  }
0x99: {  	_ =	strace $0x8FFFFFFF  }
0x9a: {  	s20 =	sld [smem:$0x3FDB];
	_ =	sdelay $0x1  }
0x9b: {  	s6 =	simm.s32 $_scs_section_size  }
0x9c: {  	s7 =	simm.s32 $_size__tile_overlayer_lowered;
	s8 =	simm.s32 $_tile_overlayer_lowered  }
0x9d: {  	s23 =	simm.s32 $0x1BFF;
	s22 =	sshll.u32 s8, $0x1;
	s5 =	sadd.s32 s6, s20  }
0x9e: {  	s9 =	simm.s32 $0x0;
	s21 =	sshll.u32 s7, $0x1;
	s7 =	sadd.s32 s22, s5  }
0x9f: {  	[timem:s9], [sflag:s23] =	dma.local [hbm:s7], s21  }
0xa0: {  	_ =	swait.ge [sflag:s23], s21  }
0xa1: {  	s6 =	ssub.s32 $0x0, s21;
	[sflag:s23] =	ssyncset.done $0x0  }
0xa2: {  	[sflag:s23] =	ssyncadd.s32 s6;
	_ =	sdelay $0x1  }
0xa3: {  	s24 =	simm.s32 $0x1B8B  }
0xa4: {  	_ =	swait.ge [sflag:s24], $0x1  }
0xa5: {  	[sflag:s24] =	ssyncset.done $0x0  }
0xa6: {  	s25 =	simm.s32 $0x1B8E;
	[sflag:s24] =	ssyncadd.s32 $0xFFFFFFFF  }
0xa7: {  	s26 =	simm.s32 $execute0_lowered;
	[smem:$0x3FD2] =	sst s25  }
0xa8: {  	s6 =	sshll.u32 s26, $0x1;
	_ =	strace $0x80000046;
	[dreg:$0x1] =	wrdreg $0xFFFFFFFF  }
0xa9: {  	s28 =	simm.s32 $_size_execute0_lowered;
	s5 =	sadd.s32 s5, s6;
	[dreg:$0x0] =	wrdreg $0x0  }
0xaa: {  	s6 =	sshll.u32 s28, $0x1;
	[dreg:$0x2] =	wrdreg s5  }
0xab: {  	[dreg:$0x3] =	wrdreg s6  }
0xac: {  	[dreg:$0x4] =	wrdreg $0xC0  }
0xad: {  	_ =	task [dreg:s9], $0x5FFFF  }
0xae: {  	[dreg:$0x1] =	wrdreg $0xFFFFFFFF  }
0xaf: {  	[dreg:$0x0] =	wrdreg $0x60  }
0xb0: {  	[dreg:$0x2] =	wrdreg s2  }
0xb1: {  	[dreg:$0x3] =	wrdreg s19  }
0xb2: {  	[dreg:$0x4] =	wrdreg s4  }
0xb3: {  	[dreg:$0x5] =	wrdreg $0x9  }
0xb4: {  	_ =	task.clear_ibuf [dreg:s9], $0x6FFFF;
	_ =	strace $0x90000046  }
0xb5: {  	s29 =	simm.s32 $0x9;
	_ =	strace $0x80000048  }
0xb6: {  	_ =	swait.ge [sflag:s29], $0x1  }
0xb7: {  	[sflag:s29] =	ssyncadd.s32 $0xFFFFFFFF  }
0xb8: {  	_ =	strace $0x90000048  }
0xb9: {  	_ =	sfence  }
0xba: {  	s30 =	sld [smem:$0x0];
	_ =	sdelay $0x2  }
0xbb: {  	s31 =	sshll.u32 s1, $0xD;
	s1 =	sshrl.u32 s1, $0x2  }
0xbc: {  	s3 =	sand.u32 $0x4000, s31;
	s1 =	sadd.s32 s1, s30  }
0xbd: {  	s0 =	sor.u32 s3, s0;
	s1 =	sshll.u32 s1, $0x11  }
0xbe: {  	s0 =	sor.u32 s1, s0  }
0xbf: {  	s0 =	sadd.s32 $0x8F2B, s0  }
0xc0: {  	[sflag:s0] =	ssyncadd.remote.s32 $0x1  }
0xc1: {  	_ =	sfence.sel $0xFFFF  }
0xc2: {  	[dreg:$0x0] =	wrdreg $0xFFFFFFFF;
	(pc) =	sbr.abs _section_cstart, $3  }
0xc3: {  	[dreg:$0x1] =	wrdreg $0xFFFFFFFF  }
0xc4: {  	_ =	task.clear_ibuf [dreg:s9], $0x2FFFF;
	_ =	strace $0x9FFFFFFF  }
0xc5: {  	(tm) =	ssettm $0x7FFFFFFF  }
tec
execute0_lowered:
.L_overlay_start_1:
0x0: {  	(tag) =	ssettag $0x1  }
0x1: {  	s0 =	rddreg [dreg:$0x0]  }
0x2: {  	s1 =	rddreg [dreg:$0x1]  }
0x3: {  	s2 =	rddreg [dreg:$0x2];
	s3 =	simm.s32 $0x0;
	s4 =	srdreg.scid  }
0x4: {  	s10 =	stileid.u32;
	s13 =	simm.s32 $0xC00;
	s29 =	simm.s32 $0x7C00  }
0x5: {  	s28 =	simm.s32 $0x1;
	s30 =	simm.s32 $0x5;
	s31 =	simm.s32 $0x2  }
0x6: {  	[smem:$0x7FF] =	sst s3;
	s4 =	sand.u32 $0x1, s4;
	s5 =	sshll.u32 s10, $0x1  }
0x7: {  	s14 =	sshll.u32 s10, $0x2;
	s22 =	sshll.u32 s10, $0x12;
	_ =	strace $0x80000047  }
0x8: {  	s6 =	ssub.s32 $0x2, s4;
	s7 =	sor.u32 s4, s5;
	s5 =	sand.u32 $0x30, s14  }
0x9: {  	s24 =	sshll.u32 s4, $0x11;
	s14 =	simm.s32 $0x1400;
	s4 =	simm.s32 $0x8  }
0xa: {  	s8 =	sshrl.u32 s6, $0x1;
	s9 =	sshll.u32 s7, $0x9;
	s16 =	sshll.u32 s7, $0x11  }
0xb: {  	s0 =	sadd.s32 s0, s5;
	s15 =	sand.u32 $0xE00, s9;
	s17 =	sadd.s32 s2, s16  }
0xc: {  	s5 =	sadd.s32 $0x100, s1;
	s0 =	sadd.s32 s15, s0;
	[dreg:$0x6] =	wrdreg s17  }
0xd: {  	s7 =	sadd.s32 $0x300, s1;
	s18 =	sadd.s32 $0x1000, s17;
	[dreg:$0x5] =	wrdreg s0  }
0xe: {  	s8 =	ssub.s32 s6, s8;
	s19 =	sadd.s32 $0x1800, s17;
	[dreg:$0x8] =	wrdreg s18  }
0xf: {  	s6 =	sadd.s32 $0x200, s1;
	s20 =	sadd.s32 $0x1E000, s17;
	[dreg:$0x9] =	wrdreg s19  }
0x10: {  	s16 =	simm.s32 $0x2400;
	s21 =	sadd.s32 $0x1E800, s17;
	[dreg:$0xa] =	wrdreg s20  }
0x11: {  	s9 =	simm.s32 $0x0;
	s23 =	sadd.s32 $0x1F000, s17;
	[dreg:$0xb] =	wrdreg s21  }
0x12: {  	s25 =	sadd.s32 $0x1F800, s17;
	s26 =	smax.u32 s8, $0x1;
	[dreg:$0xc] =	wrdreg s23  }
0x13: {  	s15 =	simm.s32 $0x1C00;
	s8 =	simm.s32 $0x6C00;
	[dreg:$0xd] =	wrdreg s25  }
0x14: {  	s0 =	sadd.s32 $0x800, s17;
	[dreg:$0xe] =	wrdreg s26;
	s19 =	simm.s32 $0x2C00  }
0x15: {  	s21 =	simm.s32 $0x3400;
	s23 =	simm.s32 $0x4C00;
	s25 =	simm.s32 $0x5C00  }
0x16: {  	s26 =	simm.s32 $0x6400;
	s20 =	simm.s32 $0x7400;
	s17 =	simm.s32 $0x7  }
0x17: {  	v2 =	vlaneseq.u32;
	s18 =	simm.s32 $0x4;
	[dreg:$0x7] =	wrdreg s0;
	s0 =	sadd.s32 s22, s2  }
0x18: {  	vm0 =	vmmov $0xffff;
	v1 =	vshrl.u32 v2, $0x3;
	s22 =	simm.s32 $0x3C00;
	s2 =	simm.s32 $0x3;
	s0 =	sadd.s32 s24, s0  }
0x19: {  	v0 =	vand.u32 $0x7, v2;
	v2 =	vor.u32 $0x8, v2;
	v1 =	vmul.u32 $0x8, v1;
	s24 =	simm.s32 $0x5400;
	[dreg:$0x4] =	wrdreg s0;
	s0 =	simm.s32 $0x6  }
.LBB2_1:
0x1a: {  	s10 =	rddreg [dreg:$0x5];
	s11 =	simm.s32 $0x80;
	s12 =	simm.s32 $0x200  }
0x1b: {  	[tilespmem:s3], [sflag:$0x9] =	stream.strided.gather [hbm4b:s10+s11], $0x400, s12, s11, $0x38;
	[tilespmem:$0x10400] =	vst v63  }
0x1c: {  	[dreg:$0xf] =	wrdreg s9;
	s12 =	simm.s32 $0x9  }
0x1d: {  	_ =	swait.ge [sflag:s12], $0x400  }
0x1e: {  	[sflag:s12] =	ssyncset.done $0x0  }
0x1f: {  	[sflag:s12] =	ssyncadd.s32 $0xFFFFFC00  }
0x20: {  	v3 =	vld [tilespmem:$0x0];
	_ =	sdelay $0x4  }
0x21: {  	v4 =	vshll.u32 v3, $0x3  }
0x22: {  	v3 =	vand.u32 $0x7, v3;
	v4 =	vand.u32 $0xFFFFFFC0, v4  }
0x23: {  	v3 =	vor.u32 v3, v4  }
0x24: {  	v4 =	vperm.xlane v3, v0;
	_ =	sdelay $0x1  }
0x25: {  	v4 =	vadd.s32 v1, v4;
	_ =	sdelay $0x3  }
0x26: {  	s11 =	simm.s32 $0x400  }
0x27: {  	[tilespmem:s11], [sflag:$0x1] =	stream.indirect_vreg.gather [hbm4b:s1+s3], $0x80, v4, vm0, $0xb8;
	[tilespmem:$0x10400] =	vst v63  }
0x28: {  	v3 =	vperm.xlane v3, v2  }
0x29: {  	[tilespmem:s13], [sflag:$0x1] =	stream.indirect_vreg.gather [hbm4b:s5+s3], $0x80, v4, vm0, $0xb8;
	[tilespmem:$0x10400] =	vst v63  }
0x2a: {  	v3 =	vadd.s32 v1, v3  }
0x2b: {  	[tilespmem:s14], [sflag:$0x1] =	stream.indirect_vreg.gather [hbm4b:s6+s3], $0x80, v4, vm0, $0xb8;
	[tilespmem:$0x10400] =	vst v63  }
0x2c: {  	_ = 	snop  }
0x2d: {  	[tilespmem:s15], [sflag:$0x1] =	stream.indirect_vreg.gather [hbm4b:s7+s3], $0x80, v4, vm0, $0xb8;
	[tilespmem:$0x10400] =	vst v63  }
0x2e: {  	_ = 	snop  }
0x2f: {  	[tilespmem:s16], [sflag:$0x1] =	stream.indirect_vreg.gather [hbm4b:s1+s3], $0x80, v3, vm0, $0xb8;
	[tilespmem:$0x10400] =	vst v63  }
0x30: {  	_ = 	snop  }
0x31: {  	[tilespmem:s19], [sflag:$0x1] =	stream.indirect_vreg.gather [hbm4b:s5+s3], $0x80, v3, vm0, $0xb8;
	[tilespmem:$0x10400] =	vst v63  }
0x32: {  	_ = 	snop  }
0x33: {  	[tilespmem:s21], [sflag:$0x1] =	stream.indirect_vreg.gather [hbm4b:s6+s3], $0x80, v3, vm0, $0xb8;
	[tilespmem:$0x10400] =	vst v63  }
0x34: {  	_ = 	snop  }
0x35: {  	[tilespmem:s22], [sflag:$0x1] =	stream.indirect_vreg.gather [hbm4b:s7+s3], $0x80, v3, vm0, $0xb8;
	[tilespmem:$0x10400] =	vst v63  }
0x36: {  	v3 =	vld [tilespmem:$0x10];
	_ =	sdelay $0x4  }
0x37: {  	v58 =	vshll.u32 v3, $0x3  }
0x38: {  	v3 =	vand.u32 $0x7, v3;
	v4 =	vand.u32 $0xFFFFFFC0, v58  }
0x39: {  	v3 =	vor.u32 v3, v4  }
0x3a: {  	v4 =	vperm.xlane v3, v0;
	_ =	sdelay $0x1  }
0x3b: {  	v4 =	vadd.s32 v1, v4;
	_ =	sdelay $0x3  }
0x3c: {  	s9 =	simm.s32 $0x4400  }
0x3d: {  	[tilespmem:s9], [sflag:$0x2] =	stream.indirect_vreg.gather [hbm4b:s1+s3], $0x80, v4, vm0, $0xb8;
	[tilespmem:$0x10400] =	vst v63  }
0x3e: {  	v3 =	vperm.xlane v3, v2  }
0x3f: {  	[tilespmem:s23], [sflag:$0x2] =	stream.indirect_vreg.gather [hbm4b:s5+s3], $0x80, v4, vm0, $0xb8;
	[tilespmem:$0x10400] =	vst v63  }
0x40: {  	v3 =	vadd.s32 v1, v3  }
0x41: {  	[tilespmem:s24], [sflag:$0x2] =	stream.indirect_vreg.gather [hbm4b:s6+s3], $0x80, v4, vm0, $0xb8;
	[tilespmem:$0x10400] =	vst v63  }
0x42: {  	_ = 	snop  }
0x43: {  	[tilespmem:s25], [sflag:$0x2] =	stream.indirect_vreg.gather [hbm4b:s7+s3], $0x80, v4, vm0, $0xb8;
	[tilespmem:$0x10400] =	vst v63  }
0x44: {  	_ = 	snop  }
0x45: {  	[tilespmem:s26], [sflag:$0x2] =	stream.indirect_vreg.gather [hbm4b:s1+s3], $0x80, v3, vm0, $0xb8;
	[tilespmem:$0x10400] =	vst v63  }
0x46: {  	_ = 	snop  }
0x47: {  	[tilespmem:s8], [sflag:$0x2] =	stream.indirect_vreg.gather [hbm4b:s5+s3], $0x80, v3, vm0, $0xb8;
	[tilespmem:$0x10400] =	vst v63  }
0x48: {  	_ = 	snop  }
0x49: {  	[tilespmem:s20], [sflag:$0x2] =	stream.indirect_vreg.gather [hbm4b:s6+s3], $0x80, v3, vm0, $0xb8;
	[tilespmem:$0x10400] =	vst v63  }
0x4a: {  	_ = 	snop  }
0x4b: {  	[tilespmem:s29], [sflag:$0x2] =	stream.indirect_vreg.gather [hbm4b:s7+s3], $0x80, v3, vm0, $0xb8;
	[tilespmem:$0x10400] =	vst v63  }
0x4c: {  	v3 =	vld [tilespmem:$0x20];
	_ =	sdelay $0x4  }
0x4d: {  	v59 =	vshll.u32 v3, $0x3  }
0x4e: {  	v3 =	vand.u32 $0x7, v3;
	v4 =	vand.u32 $0xFFFFFFC0, v59  }
0x4f: {  	v3 =	vor.u32 v3, v4  }
0x50: {  	v4 =	vperm.xlane v3, v0;
	_ =	sdelay $0x1  }
0x51: {  	v4 =	vadd.s32 v1, v4;
	_ =	sdelay $0x3  }
0x52: {  	s12 =	simm.s32 $0x8400  }
0x53: {  	[tilespmem:s12], [sflag:$0x3] =	stream.indirect_vreg.gather [hbm4b:s1+s3], $0x80, v4, vm0, $0xb8;
	[tilespmem:$0x10400] =	vst v63  }
0x54: {  	s10 =	simm.s32 $0x8C00;
	v3 =	vperm.xlane v3, v2  }
0x55: {  	[tilespmem:s10], [sflag:$0x3] =	stream.indirect_vreg.gather [hbm4b:s5+s3], $0x80, v4, vm0, $0xb8;
	[tilespmem:$0x10400] =	vst v63  }
0x56: {  	v3 =	vadd.s32 v1, v3;
	s10 =	simm.s32 $0x9400  }
0x57: {  	[tilespmem:s10], [sflag:$0x3] =	stream.indirect_vreg.gather [hbm4b:s6+s3], $0x80, v4, vm0, $0xb8;
	[tilespmem:$0x10400] =	vst v63  }
0x58: {  	s10 =	simm.s32 $0x9C00  }
0x59: {  	[tilespmem:s10], [sflag:$0x3] =	stream.indirect_vreg.gather [hbm4b:s7+s3], $0x80, v4, vm0, $0xb8;
	[tilespmem:$0x10400] =	vst v63  }
0x5a: {  	s10 =	simm.s32 $0xA400  }
0x5b: {  	[tilespmem:s10], [sflag:$0x3] =	stream.indirect_vreg.gather [hbm4b:s1+s3], $0x80, v3, vm0, $0xb8;
	[tilespmem:$0x10400] =	vst v63  }
0x5c: {  	s10 =	simm.s32 $0xAC00  }
0x5d: {  	[tilespmem:s10], [sflag:$0x3] =	stream.indirect_vreg.gather [hbm4b:s5+s3], $0x80, v3, vm0, $0xb8;
	[tilespmem:$0x10400] =	vst v63  }
0x5e: {  	s10 =	simm.s32 $0xB400  }
0x5f: {  	[tilespmem:s10], [sflag:$0x3] =	stream.indirect_vreg.gather [hbm4b:s6+s3], $0x80, v3, vm0, $0xb8;
	[tilespmem:$0x10400] =	vst v63  }
0x60: {  	s10 =	simm.s32 $0xBC00  }
0x61: {  	[tilespmem:s10], [sflag:$0x3] =	stream.indirect_vreg.gather [hbm4b:s7+s3], $0x80, v3, vm0, $0xb8;
	[tilespmem:$0x10400] =	vst v63  }
0x62: {  	v3 =	vld [tilespmem:$0x30];
	_ =	sdelay $0x4  }
0x63: {  	v60 =	vshll.u32 v3, $0x3  }
0x64: {  	v3 =	vand.u32 $0x7, v3;
	v4 =	vand.u32 $0xFFFFFFC0, v60  }
0x65: {  	v3 =	vor.u32 v3, v4  }
0x66: {  	v4 =	vperm.xlane v3, v0;
	_ =	sdelay $0x1  }
0x67: {  	v4 =	vadd.s32 v1, v4;
	_ =	sdelay $0x3  }
0x68: {  	s10 =	simm.s32 $0xC400  }
0x69: {  	[tilespmem:s10], [sflag:$0x4] =	stream.indirect_vreg.gather [hbm4b:s1+s3], $0x80, v4, vm0, $0xb8;
	[tilespmem:$0x10400] =	vst v63  }
0x6a: {  	v3 =	vperm.xlane v3, v2;
	s10 =	simm.s32 $0xCC00  }
0x6b: {  	[tilespmem:s10], [sflag:$0x4] =	stream.indirect_vreg.gather [hbm4b:s5+s3], $0x80, v4, vm0, $0xb8;
	[tilespmem:$0x10400] =	vst v63  }
0x6c: {  	v3 =	vadd.s32 v1, v3;
	s10 =	simm.s32 $0xD400  }
0x6d: {  	[tilespmem:s10], [sflag:$0x4] =	stream.indirect_vreg.gather [hbm4b:s6+s3], $0x80, v4, vm0, $0xb8;
	[tilespmem:$0x10400] =	vst v63  }
0x6e: {  	s10 =	simm.s32 $0xDC00  }
0x6f: {  	[tilespmem:s10], [sflag:$0x4] =	stream.indirect_vreg.gather [hbm4b:s7+s3], $0x80, v4, vm0, $0xb8;
	[tilespmem:$0x10400] =	vst v63  }
0x70: {  	s10 =	simm.s32 $0xE400  }
0x71: {  	[tilespmem:s10], [sflag:$0x4] =	stream.indirect_vreg.gather [hbm4b:s1+s3], $0x80, v3, vm0, $0xb8;
	[tilespmem:$0x10400] =	vst v63  }
0x72: {  	s10 =	simm.s32 $0xEC00  }
0x73: {  	[tilespmem:s10], [sflag:$0x4] =	stream.indirect_vreg.gather [hbm4b:s5+s3], $0x80, v3, vm0, $0xb8;
	[tilespmem:$0x10400] =	vst v63  }
0x74: {  	s10 =	simm.s32 $0xF400  }
0x75: {  	[tilespmem:s10], [sflag:$0x4] =	stream.indirect_vreg.gather [hbm4b:s6+s3], $0x80, v3, vm0, $0xb8;
	[tilespmem:$0x10400] =	vst v63  }
0x76: {  	s10 =	simm.s32 $0xFC00  }
0x77: {  	[tilespmem:s10], [sflag:$0x4] =	stream.indirect_vreg.gather [hbm4b:s7+s3], $0x80, v3, vm0, $0xb8;
	[tilespmem:$0x10400] =	vst v63  }
0x78: {  	_ =	swait.ge [sflag:s28], $0x4000  }
0x79: {  	[sflag:s28] =	ssyncset.done $0x0  }
0x7a: {  	s10 =	rddreg [dreg:$0x6];
	[sflag:s28] =	ssyncadd.s32 $0xFFFFC000  }
0x7b: {  	[hbm4b:s10+s3] =	stream.linear.scatter [tilespmem:s11], [sflag:$0x5], $0x4000, $0x38;
	[tilespmem:$0x10400] =	vst v63  }
0x7c: {  	_ =	swait.ge [sflag:s30], $0x4000  }
0x7d: {  	[sflag:s30] =	ssyncset.done $0x0  }
0x7e: {  	[sflag:s30] =	ssyncadd.s32 $0xFFFFC000  }
0x7f: {  	v3 =	vld [tilespmem:$0x40];
	_ =	sdelay $0x4  }
0x80: {  	v61 =	vshll.u32 v3, $0x3  }
0x81: {  	v3 =	vand.u32 $0x7, v3;
	v4 =	vand.u32 $0xFFFFFFC0, v61  }
0x82: {  	v3 =	vor.u32 v3, v4  }
0x83: {  	v4 =	vperm.xlane v3, v0;
	_ =	sdelay $0x1  }
0x84: {  	v4 =	vadd.s32 v1, v4;
	_ =	sdelay $0x4  }
0x85: {  	[tilespmem:s11], [sflag:$0x1] =	stream.indirect_vreg.gather [hbm4b:s1+s3], $0x80, v4, vm0, $0xb8;
	[tilespmem:$0x10400] =	vst v63  }
0x86: {  	v3 =	vperm.xlane v3, v2  }
0x87: {  	[tilespmem:s13], [sflag:$0x1] =	stream.indirect_vreg.gather [hbm4b:s5+s3], $0x80, v4, vm0, $0xb8;
	[tilespmem:$0x10400] =	vst v63  }
0x88: {  	v3 =	vadd.s32 v1, v3  }
0x89: {  	[tilespmem:s14], [sflag:$0x1] =	stream.indirect_vreg.gather [hbm4b:s6+s3], $0x80, v4, vm0, $0xb8;
	[tilespmem:$0x10400] =	vst v63  }
0x8a: {  	_ = 	snop  }
0x8b: {  	[tilespmem:s15], [sflag:$0x1] =	stream.indirect_vreg.gather [hbm4b:s7+s3], $0x80, v4, vm0, $0xb8;
	[tilespmem:$0x10400] =	vst v63  }
0x8c: {  	_ = 	snop  }
0x8d: {  	[tilespmem:s16], [sflag:$0x1] =	stream.indirect_vreg.gather [hbm4b:s1+s3], $0x80, v3, vm0, $0xb8;
	[tilespmem:$0x10400] =	vst v63  }
0x8e: {  	_ = 	snop  }
0x8f: {  	[tilespmem:s19], [sflag:$0x1] =	stream.indirect_vreg.gather [hbm4b:s5+s3], $0x80, v3, vm0, $0xb8;
	[tilespmem:$0x10400] =	vst v63  }
0x90: {  	_ = 	snop  }
0x91: {  	[tilespmem:s21], [sflag:$0x1] =	stream.indirect_vreg.gather [hbm4b:s6+s3], $0x80, v3, vm0, $0xb8;
	[tilespmem:$0x10400] =	vst v63  }
0x92: {  	_ = 	snop  }
0x93: {  	[tilespmem:s22], [sflag:$0x1] =	stream.indirect_vreg.gather [hbm4b:s7+s3], $0x80, v3, vm0, $0xb8;
	[tilespmem:$0x10400] =	vst v63  }
0x94: {  	_ =	swait.ge [sflag:s31], $0x4000  }
0x95: {  	[sflag:s31] =	ssyncset.done $0x0  }
0x96: {  	s15 =	rddreg [dreg:$0x7];
	[sflag:s31] =	ssyncadd.s32 $0xFFFFC000  }
0x97: {  	[hbm4b:s15+s3] =	stream.linear.scatter [tilespmem:s9], [sflag:$0x6], $0x4000, $0x38;
	[tilespmem:$0x10400] =	vst v63  }
0x98: {  	_ =	swait.ge [sflag:s0], $0x4000  }
0x99: {  	[sflag:s0] =	ssyncset.done $0x0  }
0x9a: {  	[sflag:s0] =	ssyncadd.s32 $0xFFFFC000  }
0x9b: {  	v3 =	vld [tilespmem:$0x50];
	_ =	sdelay $0x4  }
0x9c: {  	v62 =	vshll.u32 v3, $0x3  }
0x9d: {  	v3 =	vand.u32 $0x7, v3;
	v4 =	vand.u32 $0xFFFFFFC0, v62  }
0x9e: {  	v3 =	vor.u32 v3, v4  }
0x9f: {  	v4 =	vperm.xlane v3, v0;
	_ =	sdelay $0x1  }
0xa0: {  	v4 =	vadd.s32 v1, v4;
	_ =	sdelay $0x4  }
0xa1: {  	[tilespmem:s9], [sflag:$0x2] =	stream.indirect_vreg.gather [hbm4b:s1+s3], $0x80, v4, vm0, $0xb8;
	[tilespmem:$0x10400] =	vst v63  }
0xa2: {  	v3 =	vperm.xlane v3, v2  }
0xa3: {  	[tilespmem:s23], [sflag:$0x2] =	stream.indirect_vreg.gather [hbm4b:s5+s3], $0x80, v4, vm0, $0xb8;
	[tilespmem:$0x10400] =	vst v63  }
0xa4: {  	v3 =	vadd.s32 v1, v3  }
0xa5: {  	[tilespmem:s24], [sflag:$0x2] =	stream.indirect_vreg.gather [hbm4b:s6+s3], $0x80, v4, vm0, $0xb8;
	[tilespmem:$0x10400] =	vst v63  }
0xa6: {  	_ = 	snop  }
0xa7: {  	[tilespmem:s25], [sflag:$0x2] =	stream.indirect_vreg.gather [hbm4b:s7+s3], $0x80, v4, vm0, $0xb8;
	[tilespmem:$0x10400] =	vst v63  }
0xa8: {  	_ = 	snop  }
0xa9: {  	[tilespmem:s26], [sflag:$0x2] =	stream.indirect_vreg.gather [hbm4b:s1+s3], $0x80, v3, vm0, $0xb8;
	[tilespmem:$0x10400] =	vst v63  }
0xaa: {  	_ = 	snop  }
0xab: {  	[tilespmem:s8], [sflag:$0x2] =	stream.indirect_vreg.gather [hbm4b:s5+s3], $0x80, v3, vm0, $0xb8;
	[tilespmem:$0x10400] =	vst v63  }
0xac: {  	_ = 	snop  }
0xad: {  	[tilespmem:s20], [sflag:$0x2] =	stream.indirect_vreg.gather [hbm4b:s6+s3], $0x80, v3, vm0, $0xb8;
	[tilespmem:$0x10400] =	vst v63  }
0xae: {  	_ = 	snop  }
0xaf: {  	[tilespmem:s29], [sflag:$0x2] =	stream.indirect_vreg.gather [hbm4b:s7+s3], $0x80, v3, vm0, $0xb8;
	[tilespmem:$0x10400] =	vst v63  }
0xb0: {  	_ =	swait.ge [sflag:s2], $0x4000  }
0xb1: {  	[sflag:s2] =	ssyncset.done $0x0  }
0xb2: {  	s16 =	rddreg [dreg:$0x8];
	[sflag:s2] =	ssyncadd.s32 $0xFFFFC000  }
0xb3: {  	[hbm4b:s16+s3] =	stream.linear.scatter [tilespmem:s12], [sflag:$0x7], $0x4000, $0x38;
	[tilespmem:$0x10400] =	vst v63  }
0xb4: {  	_ =	swait.ge [sflag:s17], $0x4000  }
0xb5: {  	[sflag:s17] =	ssyncset.done $0x0  }
0xb6: {  	[sflag:s17] =	ssyncadd.s32 $0xFFFFC000  }
0xb7: {  	v3 =	vld [tilespmem:$0x60];
	_ =	sdelay $0x4  }
0xb8: {  	v63 =	vshll.u32 v3, $0x3  }
0xb9: {  	v3 =	vand.u32 $0x7, v3;
	v4 =	vand.u32 $0xFFFFFFC0, v63  }
0xba: {  	v3 =	vor.u32 v3, v4  }
0xbb: {  	v4 =	vperm.xlane v3, v0;
	_ =	sdelay $0x1  }
0xbc: {  	v4 =	vadd.s32 v1, v4;
	_ =	sdelay $0x4  }
0xbd: {  	[tilespmem:s12], [sflag:$0x3] =	stream.indirect_vreg.gather [hbm4b:s1+s3], $0x80, v4, vm0, $0xb8;
	[tilespmem:$0x10400] =	vst v63  }
0xbe: {  	s19 =	simm.s32 $0x8C00;
	v3 =	vperm.xlane v3, v2  }
0xbf: {  	[tilespmem:s19], [sflag:$0x3] =	stream.indirect_vreg.gather [hbm4b:s5+s3], $0x80, v4, vm0, $0xb8;
	[tilespmem:$0x10400] =	vst v63  }
0xc0: {  	s20 =	simm.s32 $0x9400;
	v3 =	vadd.s32 v1, v3  }
0xc1: {  	[tilespmem:s20], [sflag:$0x3] =	stream.indirect_vreg.gather [hbm4b:s6+s3], $0x80, v4, vm0, $0xb8;
	[tilespmem:$0x10400] =	vst v63  }
0xc2: {  	s21 =	simm.s32 $0x9C00  }
0xc3: {  	[tilespmem:s21], [sflag:$0x3] =	stream.indirect_vreg.gather [hbm4b:s7+s3], $0x80, v4, vm0, $0xb8;
	[tilespmem:$0x10400] =	vst v63  }
0xc4: {  	s22 =	simm.s32 $0xA400  }
0xc5: {  	[tilespmem:s22], [sflag:$0x3] =	stream.indirect_vreg.gather [hbm4b:s1+s3], $0x80, v3, vm0, $0xb8;
	[tilespmem:$0x10400] =	vst v63  }
0xc6: {  	s23 =	simm.s32 $0xAC00  }
0xc7: {  	[tilespmem:s23], [sflag:$0x3] =	stream.indirect_vreg.gather [hbm4b:s5+s3], $0x80, v3, vm0, $0xb8;
	[tilespmem:$0x10400] =	vst v63  }
0xc8: {  	s10 =	simm.s32 $0xA0;
	s11 =	simm.s32 $0x0;
	s24 =	simm.s32 $0xB400  }
0xc9: {  	[tilespmem:s24], [sflag:$0x3] =	stream.indirect_vreg.gather [hbm4b:s6+s3], $0x80, v3, vm0, $0xb8;
	[tilespmem:$0x10400] =	vst v63  }
0xca: {  	s14 =	simm.s32 $0xC00;
	s25 =	simm.s32 $0xBC00;
	s29 =	simm.s32 $0xC400  }
0xcb: {  	[tilespmem:s25], [sflag:$0x3] =	stream.indirect_vreg.gather [hbm4b:s7+s3], $0x80, v3, vm0, $0xb8;
	[tilespmem:$0x10400] =	vst v63  }
0xcc: {  	s16 =	simm.s32 $0x1C00;
	s19 =	simm.s32 $0x7C00;
	_ =	swait.ge [sflag:s18], $0x4000  }
0xcd: {  	s20 =	simm.s32 $0x6400;
	s21 =	simm.s32 $0x2C00;
	[sflag:s18] =	ssyncset.done $0x0  }
0xce: {  	s23 =	simm.s32 $0x3C00;
	s26 =	rddreg [dreg:$0x9];
	[sflag:s18] =	ssyncadd.s32 $0xFFFFC000  }
0xcf: {  	[hbm4b:s26+s3] =	stream.linear.scatter [tilespmem:s29], [sflag:$0x8], $0x4000, $0x38;
	[tilespmem:$0x10400] =	vst v63  }
0xd0: {  	s24 =	simm.s32 $0x4C00;
	s25 =	simm.s32 $0x5400;
	s26 =	simm.s32 $0x5C00  }
.LBB2_2:
0xd1: {  	_ =	swait.ge [sflag:s4], $0x4000  }
0xd2: {  	[sflag:s4] =	ssyncset.done $0x0  }
0xd3: {  	[sflag:s4] =	ssyncadd.s32 $0xFFFFC000  }
0xd4: {  	v3 =	vld [tilespmem:s10+$0xFFFFFFD0];
	_ =	sdelay $0x4  }
0xd5: {  	v4 =	vshll.u32 v3, $0x3  }
0xd6: {  	v3 =	vand.u32 $0x7, v3;
	v4 =	vand.u32 $0xFFFFFFC0, v4  }
0xd7: {  	v3 =	vor.u32 v3, v4  }
0xd8: {  	v4 =	vperm.xlane v3, v0;
	_ =	sdelay $0x1  }
0xd9: {  	v4 =	vadd.s32 v1, v4;
	_ =	sdelay $0x3  }
0xda: {  	s22 =	simm.s32 $0xC400  }
0xdb: {  	[tilespmem:s22], [sflag:$0x4] =	stream.indirect_vreg.gather [hbm4b:s1+s3], $0x80, v4, vm0, $0xb8;
	[tilespmem:$0x10400] =	vst v63  }
0xdc: {  	s8 =	simm.s32 $0xCC00;
	v3 =	vperm.xlane v3, v2  }
0xdd: {  	[tilespmem:s8], [sflag:$0x4] =	stream.indirect_vreg.gather [hbm4b:s5+s3], $0x80, v4, vm0, $0xb8;
	[tilespmem:$0x10400] =	vst v63  }
0xde: {  	s13 =	simm.s32 $0xD400;
	v3 =	vadd.s32 v1, v3  }
0xdf: {  	[tilespmem:s13], [sflag:$0x4] =	stream.indirect_vreg.gather [hbm4b:s6+s3], $0x80, v4, vm0, $0xb8;
	[tilespmem:$0x10400] =	vst v63  }
0xe0: {  	s15 =	simm.s32 $0xDC00  }
0xe1: {  	[tilespmem:s15], [sflag:$0x4] =	stream.indirect_vreg.gather [hbm4b:s7+s3], $0x80, v4, vm0, $0xb8;
	[tilespmem:$0x10400] =	vst v63  }
0xe2: {  	s9 =	simm.s32 $0xE400  }
0xe3: {  	[tilespmem:s9], [sflag:$0x4] =	stream.indirect_vreg.gather [hbm4b:s1+s3], $0x80, v3, vm0, $0xb8;
	[tilespmem:$0x10400] =	vst v63  }
0xe4: {  	s12 =	simm.s32 $0xEC00  }
0xe5: {  	[tilespmem:s12], [sflag:$0x4] =	stream.indirect_vreg.gather [hbm4b:s5+s3], $0x80, v3, vm0, $0xb8;
	[tilespmem:$0x10400] =	vst v63  }
0xe6: {  	s13 =	simm.s32 $0xF400  }
0xe7: {  	[tilespmem:s13], [sflag:$0x4] =	stream.indirect_vreg.gather [hbm4b:s6+s3], $0x80, v3, vm0, $0xb8;
	[tilespmem:$0x10400] =	vst v63  }
0xe8: {  	s15 =	simm.s32 $0xFC00  }
0xe9: {  	[tilespmem:s15], [sflag:$0x4] =	stream.indirect_vreg.gather [hbm4b:s7+s3], $0x80, v3, vm0, $0xb8;
	[tilespmem:$0x10400] =	vst v63  }
0xea: {  	_ =	swait.ge [sflag:s28], $0x4000  }
0xeb: {  	s12 =	rddreg [dreg:$0x4]  }
0xec: {  	[sflag:s28] =	ssyncset.done $0x0;
	s12 =	sadd.s32 s11, s12  }
0xed: {  	s9 =	simm.s32 $0x400;
	[sflag:s28] =	ssyncadd.s32 $0xFFFFC000;
	s13 =	sadd.s32 $0x2000, s12  }
0xee: {  	[hbm4b:s13+s3] =	stream.linear.scatter [tilespmem:s9], [sflag:$0x5], $0x4000, $0x38;
	[tilespmem:$0x10400] =	vst v63  }
0xef: {  	_ =	swait.ge [sflag:s30], $0x4000  }
0xf0: {  	[sflag:s30] =	ssyncset.done $0x0  }
0xf1: {  	[sflag:s30] =	ssyncadd.s32 $0xFFFFC000  }
0xf2: {  	v3 =	vld [tilespmem:s10+$0xFFFFFFE0];
	_ =	sdelay $0x4  }
0xf3: {  	v61 =	vshll.u32 v3, $0x3  }
0xf4: {  	v3 =	vand.u32 $0x7, v3;
	v4 =	vand.u32 $0xFFFFFFC0, v61  }
0xf5: {  	v3 =	vor.u32 v3, v4  }
0xf6: {  	v4 =	vperm.xlane v3, v0;
	_ =	sdelay $0x1  }
0xf7: {  	v4 =	vadd.s32 v1, v4;
	_ =	sdelay $0x4  }
0xf8: {  	[tilespmem:s9], [sflag:$0x1] =	stream.indirect_vreg.gather [hbm4b:s1+s3], $0x80, v4, vm0, $0xb8;
	[tilespmem:$0x10400] =	vst v63  }
0xf9: {  	v3 =	vperm.xlane v3, v2  }
0xfa: {  	[tilespmem:s14], [sflag:$0x1] =	stream.indirect_vreg.gather [hbm4b:s5+s3], $0x80, v4, vm0, $0xb8;
	[tilespmem:$0x10400] =	vst v63  }
0xfb: {  	v3 =	vadd.s32 v1, v3;
	s9 =	simm.s32 $0x1400  }
0xfc: {  	[tilespmem:s9], [sflag:$0x1] =	stream.indirect_vreg.gather [hbm4b:s6+s3], $0x80, v4, vm0, $0xb8;
	[tilespmem:$0x10400] =	vst v63  }
0xfd: {  	_ = 	snop  }
0xfe: {  	[tilespmem:s16], [sflag:$0x1] =	stream.indirect_vreg.gather [hbm4b:s7+s3], $0x80, v4, vm0, $0xb8;
	[tilespmem:$0x10400] =	vst v63  }
0xff: {  	s13 =	simm.s32 $0x2400  }
0x100: {  	[tilespmem:s13], [sflag:$0x1] =	stream.indirect_vreg.gather [hbm4b:s1+s3], $0x80, v3, vm0, $0xb8;
	[tilespmem:$0x10400] =	vst v63  }
0x101: {  	_ = 	snop  }
0x102: {  	[tilespmem:s21], [sflag:$0x1] =	stream.indirect_vreg.gather [hbm4b:s5+s3], $0x80, v3, vm0, $0xb8;
	[tilespmem:$0x10400] =	vst v63  }
0x103: {  	s15 =	simm.s32 $0x3400  }
0x104: {  	[tilespmem:s15], [sflag:$0x1] =	stream.indirect_vreg.gather [hbm4b:s6+s3], $0x80, v3, vm0, $0xb8;
	[tilespmem:$0x10400] =	vst v63  }
0x105: {  	_ = 	snop  }
0x106: {  	[tilespmem:s23], [sflag:$0x1] =	stream.indirect_vreg.gather [hbm4b:s7+s3], $0x80, v3, vm0, $0xb8;
	[tilespmem:$0x10400] =	vst v63  }
0x107: {  	_ =	swait.ge [sflag:s31], $0x4000  }
0x108: {  	[sflag:s31] =	ssyncset.done $0x0  }
0x109: {  	s9 =	sadd.s32 $0x2800, s12;
	s15 =	simm.s32 $0x4400;
	[sflag:s31] =	ssyncadd.s32 $0xFFFFC000  }
0x10a: {  	[hbm4b:s9+s3] =	stream.linear.scatter [tilespmem:s15], [sflag:$0x6], $0x4000, $0x38;
	[tilespmem:$0x10400] =	vst v63  }
0x10b: {  	_ =	swait.ge [sflag:s0], $0x4000  }
0x10c: {  	[sflag:s0] =	ssyncset.done $0x0  }
0x10d: {  	[sflag:s0] =	ssyncadd.s32 $0xFFFFC000  }
0x10e: {  	v3 =	vld [tilespmem:s10+$0xFFFFFFF0];
	_ =	sdelay $0x4  }
0x10f: {  	v62 =	vshll.u32 v3, $0x3  }
0x110: {  	v3 =	vand.u32 $0x7, v3;
	v4 =	vand.u32 $0xFFFFFFC0, v62  }
0x111: {  	v3 =	vor.u32 v3, v4  }
0x112: {  	v4 =	vperm.xlane v3, v0;
	_ =	sdelay $0x1  }
0x113: {  	v4 =	vadd.s32 v1, v4;
	_ =	sdelay $0x4  }
0x114: {  	[tilespmem:s15], [sflag:$0x2] =	stream.indirect_vreg.gather [hbm4b:s1+s3], $0x80, v4, vm0, $0xb8;
	[tilespmem:$0x10400] =	vst v63  }
0x115: {  	v3 =	vperm.xlane v3, v2  }
0x116: {  	[tilespmem:s24], [sflag:$0x2] =	stream.indirect_vreg.gather [hbm4b:s5+s3], $0x80, v4, vm0, $0xb8;
	[tilespmem:$0x10400] =	vst v63  }
0x117: {  	v3 =	vadd.s32 v1, v3  }
0x118: {  	[tilespmem:s25], [sflag:$0x2] =	stream.indirect_vreg.gather [hbm4b:s6+s3], $0x80, v4, vm0, $0xb8;
	[tilespmem:$0x10400] =	vst v63  }
0x119: {  	_ = 	snop  }
0x11a: {  	[tilespmem:s26], [sflag:$0x2] =	stream.indirect_vreg.gather [hbm4b:s7+s3], $0x80, v4, vm0, $0xb8;
	[tilespmem:$0x10400] =	vst v63  }
0x11b: {  	_ = 	snop  }
0x11c: {  	[tilespmem:s20], [sflag:$0x2] =	stream.indirect_vreg.gather [hbm4b:s1+s3], $0x80, v3, vm0, $0xb8;
	[tilespmem:$0x10400] =	vst v63  }
0x11d: {  	s8 =	simm.s32 $0x6C00  }
0x11e: {  	[tilespmem:s8], [sflag:$0x2] =	stream.indirect_vreg.gather [hbm4b:s5+s3], $0x80, v3, vm0, $0xb8;
	[tilespmem:$0x10400] =	vst v63  }
0x11f: {  	s15 =	simm.s32 $0x7400  }
0x120: {  	[tilespmem:s15], [sflag:$0x2] =	stream.indirect_vreg.gather [hbm4b:s6+s3], $0x80, v3, vm0, $0xb8;
	[tilespmem:$0x10400] =	vst v63  }
0x121: {  	_ = 	snop  }
0x122: {  	[tilespmem:s19], [sflag:$0x2] =	stream.indirect_vreg.gather [hbm4b:s7+s3], $0x80, v3, vm0, $0xb8;
	[tilespmem:$0x10400] =	vst v63  }
0x123: {  	_ =	swait.ge [sflag:s2], $0x4000  }
0x124: {  	[sflag:s2] =	ssyncset.done $0x0  }
0x125: {  	s13 =	sadd.s32 $0x3000, s12;
	s15 =	simm.s32 $0x8400;
	[sflag:s2] =	ssyncadd.s32 $0xFFFFC000  }
0x126: {  	[hbm4b:s13+s3] =	stream.linear.scatter [tilespmem:s15], [sflag:$0x7], $0x4000, $0x38;
	[tilespmem:$0x10400] =	vst v63  }
0x127: {  	_ =	swait.ge [sflag:s17], $0x4000  }
0x128: {  	[sflag:s17] =	ssyncset.done $0x0  }
0x129: {  	[sflag:s17] =	ssyncadd.s32 $0xFFFFC000  }
0x12a: {  	v3 =	vld [tilespmem:s10+$0x0];
	_ =	sdelay $0x4  }
0x12b: {  	v63 =	vshll.u32 v3, $0x3  }
0x12c: {  	v3 =	vand.u32 $0x7, v3;
	v4 =	vand.u32 $0xFFFFFFC0, v63  }
0x12d: {  	v3 =	vor.u32 v3, v4  }
0x12e: {  	v4 =	vperm.xlane v3, v0;
	_ =	sdelay $0x1  }
0x12f: {  	v4 =	vadd.s32 v1, v4;
	_ =	sdelay $0x4  }
0x130: {  	[tilespmem:s15], [sflag:$0x3] =	stream.indirect_vreg.gather [hbm4b:s1+s3], $0x80, v4, vm0, $0xb8;
	[tilespmem:$0x10400] =	vst v63  }
0x131: {  	v3 =	vperm.xlane v3, v2;
	s15 =	simm.s32 $0x8C00  }
0x132: {  	[tilespmem:s15], [sflag:$0x3] =	stream.indirect_vreg.gather [hbm4b:s5+s3], $0x80, v4, vm0, $0xb8;
	[tilespmem:$0x10400] =	vst v63  }
0x133: {  	v3 =	vadd.s32 v1, v3;
	s15 =	simm.s32 $0x9400  }
0x134: {  	[tilespmem:s15], [sflag:$0x3] =	stream.indirect_vreg.gather [hbm4b:s6+s3], $0x80, v4, vm0, $0xb8;
	[tilespmem:$0x10400] =	vst v63  }
0x135: {  	s15 =	simm.s32 $0x9C00  }
0x136: {  	[tilespmem:s15], [sflag:$0x3] =	stream.indirect_vreg.gather [hbm4b:s7+s3], $0x80, v4, vm0, $0xb8;
	[tilespmem:$0x10400] =	vst v63  }
0x137: {  	s15 =	simm.s32 $0xA400  }
0x138: {  	[tilespmem:s15], [sflag:$0x3] =	stream.indirect_vreg.gather [hbm4b:s1+s3], $0x80, v3, vm0, $0xb8;
	[tilespmem:$0x10400] =	vst v63  }
0x139: {  	s15 =	simm.s32 $0xAC00  }
0x13a: {  	[tilespmem:s15], [sflag:$0x3] =	stream.indirect_vreg.gather [hbm4b:s5+s3], $0x80, v3, vm0, $0xb8;
	[tilespmem:$0x10400] =	vst v63  }
0x13b: {  	s15 =	simm.s32 $0xB400  }
0x13c: {  	[tilespmem:s15], [sflag:$0x3] =	stream.indirect_vreg.gather [hbm4b:s6+s3], $0x80, v3, vm0, $0xb8;
	[tilespmem:$0x10400] =	vst v63  }
0x13d: {  	p0 =	sne.s32 s11, $0x1A000;
	s15 =	simm.s32 $0xBC00  }
0x13e: {  	[tilespmem:s15], [sflag:$0x3] =	stream.indirect_vreg.gather [hbm4b:s7+s3], $0x80, v3, vm0, $0xb8;
	[tilespmem:$0x10400] =	vst v63  }
.Ltmp0:
0x13f: {  	_ = 	snop;
	(pc) =	sbr.rel @p0 .LBB2_2-.Ltmp0, $4  }
0x140: {  	s29 =	simm.s32 $0x400;
	s11 =	sadd.s32 $0x2000, s11;
	_ =	swait.ge [sflag:s18], $0x4000  }
0x141: {  	s12 =	sadd.s32 $0x3800, s12;
	s9 =	simm.s32 $0x4400;
	[sflag:s18] =	ssyncset.done $0x0  }
0x142: {  	s13 =	simm.s32 $0x8400;
	s10 =	sadd.s32 $0x40, s10;
	[sflag:s18] =	ssyncadd.s32 $0xFFFFC000  }
0x143: {  	[hbm4b:s12+s3] =	stream.linear.scatter [tilespmem:s22], [sflag:$0x8], $0x4000, $0x38;
	[tilespmem:$0x10400] =	vst v63  }
0x144: {  	_ =	swait.ge [sflag:s4], $0x4000  }
0x145: {  	[sflag:s4] =	ssyncset.done $0x0  }
0x146: {  	[sflag:s4] =	ssyncadd.s32 $0xFFFFC000  }
0x147: {  	v3 =	vld [tilespmem:$0x3F0];
	_ =	sdelay $0x4  }
0x148: {  	v4 =	vshll.u32 v3, $0x3  }
0x149: {  	v3 =	vand.u32 $0x7, v3;
	v4 =	vand.u32 $0xFFFFFFC0, v4  }
0x14a: {  	v3 =	vor.u32 v3, v4  }
0x14b: {  	v4 =	vperm.xlane v3, v0;
	_ =	sdelay $0x1  }
0x14c: {  	v4 =	vadd.s32 v1, v4;
	_ =	sdelay $0x3  }
0x14d: {  	s11 =	simm.s32 $0xC400  }
0x14e: {  	[tilespmem:s11], [sflag:$0x4] =	stream.indirect_vreg.gather [hbm4b:s1+s3], $0x80, v4, vm0, $0xb8;
	[tilespmem:$0x10400] =	vst v63  }
0x14f: {  	s10 =	simm.s32 $0xCC00;
	v3 =	vperm.xlane v3, v2  }
0x150: {  	[tilespmem:s10], [sflag:$0x4] =	stream.indirect_vreg.gather [hbm4b:s5+s3], $0x80, v4, vm0, $0xb8;
	[tilespmem:$0x10400] =	vst v63  }
0x151: {  	s12 =	simm.s32 $0xD400;
	v3 =	vadd.s32 v1, v3  }
0x152: {  	[tilespmem:s12], [sflag:$0x4] =	stream.indirect_vreg.gather [hbm4b:s6+s3], $0x80, v4, vm0, $0xb8;
	[tilespmem:$0x10400] =	vst v63  }
0x153: {  	s14 =	simm.s32 $0xDC00  }
0x154: {  	[tilespmem:s14], [sflag:$0x4] =	stream.indirect_vreg.gather [hbm4b:s7+s3], $0x80, v4, vm0, $0xb8;
	[tilespmem:$0x10400] =	vst v63  }
0x155: {  	s15 =	simm.s32 $0xE400  }
0x156: {  	[tilespmem:s15], [sflag:$0x4] =	stream.indirect_vreg.gather [hbm4b:s1+s3], $0x80, v3, vm0, $0xb8;
	[tilespmem:$0x10400] =	vst v63  }
0x157: {  	s16 =	simm.s32 $0xEC00  }
0x158: {  	[tilespmem:s16], [sflag:$0x4] =	stream.indirect_vreg.gather [hbm4b:s5+s3], $0x80, v3, vm0, $0xb8;
	[tilespmem:$0x10400] =	vst v63  }
0x159: {  	s19 =	simm.s32 $0xF400  }
0x15a: {  	[tilespmem:s19], [sflag:$0x4] =	stream.indirect_vreg.gather [hbm4b:s6+s3], $0x80, v3, vm0, $0xb8;
	[tilespmem:$0x10400] =	vst v63  }
0x15b: {  	s20 =	simm.s32 $0xFC00  }
0x15c: {  	[tilespmem:s20], [sflag:$0x4] =	stream.indirect_vreg.gather [hbm4b:s7+s3], $0x80, v3, vm0, $0xb8;
	[tilespmem:$0x10400] =	vst v63  }
0x15d: {  	_ =	swait.ge [sflag:s28], $0x4000  }
0x15e: {  	[sflag:s28] =	ssyncset.done $0x0  }
0x15f: {  	s21 =	rddreg [dreg:$0xa];
	[sflag:s28] =	ssyncadd.s32 $0xFFFFC000  }
0x160: {  	[hbm4b:s21+s3] =	stream.linear.scatter [tilespmem:s29], [sflag:$0x5], $0x4000, $0x38;
	[tilespmem:$0x10400] =	vst v63  }
0x161: {  	_ =	swait.ge [sflag:s30], $0x4000  }
0x162: {  	[sflag:s30] =	ssyncset.done $0x0  }
0x163: {  	[sflag:s30] =	ssyncadd.s32 $0xFFFFC000  }
0x164: {  	_ =	swait.ge [sflag:s31], $0x4000  }
0x165: {  	[sflag:s31] =	ssyncset.done $0x0  }
0x166: {  	s22 =	rddreg [dreg:$0xb];
	[sflag:s31] =	ssyncadd.s32 $0xFFFFC000  }
0x167: {  	[hbm4b:s22+s3] =	stream.linear.scatter [tilespmem:s9], [sflag:$0x6], $0x4000, $0x38;
	[tilespmem:$0x10400] =	vst v63  }
0x168: {  	_ =	swait.ge [sflag:s0], $0x4000  }
0x169: {  	[sflag:s0] =	ssyncset.done $0x0  }
0x16a: {  	[sflag:s0] =	ssyncadd.s32 $0xFFFFC000  }
0x16b: {  	_ =	swait.ge [sflag:s2], $0x4000  }
0x16c: {  	[sflag:s2] =	ssyncset.done $0x0  }
0x16d: {  	s23 =	rddreg [dreg:$0xc];
	[sflag:s2] =	ssyncadd.s32 $0xFFFFC000  }
0x16e: {  	[hbm4b:s23+s3] =	stream.linear.scatter [tilespmem:s13], [sflag:$0x7], $0x4000, $0x38;
	[tilespmem:$0x10400] =	vst v63  }
0x16f: {  	_ =	swait.ge [sflag:s17], $0x4000  }
0x170: {  	[sflag:s17] =	ssyncset.done $0x0  }
0x171: {  	[sflag:s17] =	ssyncadd.s32 $0xFFFFC000  }
0x172: {  	_ =	swait.ge [sflag:s18], $0x4000  }
0x173: {  	[sflag:s18] =	ssyncset.done $0x0  }
0x174: {  	s24 =	rddreg [dreg:$0xd];
	[sflag:s18] =	ssyncadd.s32 $0xFFFFC000  }
0x175: {  	[hbm4b:s24+s3] =	stream.linear.scatter [tilespmem:s11], [sflag:$0x8], $0x4000, $0x38;
	[tilespmem:$0x10400] =	vst v63  }
0x176: {  	_ =	swait.ge [sflag:s4], $0x4000  }
0x177: {  	s25 =	rddreg [dreg:$0xf]  }
0x178: {  	s26 =	rddreg [dreg:$0xe];
	s9 =	sadd.s32 $0x1, s25  }
0x179: {  	s14 =	simm.s32 $0x1400;
	p0 =	sne.s32 s9, s26  }
.Ltmp1:
0x17a: {  	s15 =	simm.s32 $0x1C00;
	s16 =	simm.s32 $0x2400;
	(pc) =	sbr.rel @p0 .LBB2_1-.Ltmp1, $4  }
0x17b: {  	s19 =	simm.s32 $0x2C00;
	s20 =	simm.s32 $0x7400;
	s21 =	simm.s32 $0x3400  }
0x17c: {  	s29 =	simm.s32 $0x7C00;
	s22 =	simm.s32 $0x3C00;
	s13 =	simm.s32 $0xC00  }
0x17d: {  	s23 =	simm.s32 $0x4C00;
	s24 =	simm.s32 $0x5400;
	[sflag:s4] =	ssyncset.done $0x0  }
0x17e: {  	[sflag:s4] =	ssyncadd.s32 $0xFFFFC000;
	s25 =	simm.s32 $0x5C00;
	s26 =	simm.s32 $0x6400  }
0x17f: {  	_ =	sfence.sel $0x180000  }
0x180: {  	[bflag:$0x0] =	sbarrier.arrive $0xFFFF  }
0x181: {  	_ =	strace $0x90000047  }
0x182: {  	s0 =	stileid.u32;
	[bflag:$0x2] =	sbarrier.arrive $0xFFFF  }
0x183: {  	p0 =	sne.s32 s0, $0x0;
	s0 =	rddreg [dreg:$0x3]  }
0x184: {  	s0 =	sadd.s32 @!p0 $0x100000, s0  }
0x185: {  	[sflag:s0] =	ssyncadd.tile.s32 @!p0 $0x1;
	_ =	shalt  }
.Lfunc_end2:
_tile_overlayer_lowered:
.L_overlay_start_2:
0x186: {  	(tag) =	ssettag $0x2  }
0x187: {  	s0 =	rddreg [dreg:$0x0];
	s2 =	stileid.u32  }
0x188: {  	s1 =	rddreg [dreg:$0x1];
	p0 =	sne.s32 s2, $0x0  }
0x189: {  	s3 =	rddreg [dreg:$0x2];
	[bflag:$0x3] =	sbarrier.arrive $0xFFFF;
	s2 =	simm.s32 @!p0 $0x1C09  }
0x18a: {  	[timem:s3], [sflag:s2] =	dma.local @!p0 [hbm:s0], s1  }
0x18b: {  	s0 =	simm.s32 @!p0 $0x9  }
0x18c: {  	_ =	swait.ge @!p0 [sflag:s0], s1  }
0x18d: {  	s1 =	ssub.s32 @!p0 $0x0, s1;
	[sflag:s0] =	ssyncset.done @!p0 $0x0  }
0x18e: {  	[sflag:s0] =	ssyncadd.s32 @!p0 s1  }
0x18f: {  	[bflag:$0x3] =	sbarrier.arrive $0xFFFF  }
0x190: {  	_ =	shalt  }

</sc_bundles>
